<compile_context>
chip_gen: v7x
topology: tpu7x:2x2x1
jax: 0.10.2.dev20260603
libtpu: 0.0.44.dev20260713+nightly
codegen_flags: <defaults>
</compile_context>

<pallas_src>
import functools

import jax
import jax.numpy as jnp
from jax import lax
from jax.experimental import pallas as pl
from jax.experimental.pallas import tpu as pltpu
from jax.experimental.pallas import tpu_sc as plsc

_K = 8
_QB = 256
_L = 16
_NW = 32
_QCHUNK = 32
_NSC = 1024



def _mlp_block(pred, nmean, w1t_ref, b1_ref, w2t_ref, b2_ref,
               wd0_ref, wd1_ref, bd_ref, wct_ref, bc_ref):
    combined = jnp.concatenate([pred, nmean], axis=1)
    h = jax.nn.relu(
        lax.dot_general(combined, w1t_ref[...], (((1,), (0,)), ((), ())),
                        preferred_element_type=jnp.float32) + b1_ref[...])
    seed_feat = lax.dot_general(h, w2t_ref[...], (((1,), (0,)), ((), ())),
                                preferred_element_type=jnp.float32) + b2_ref[...]

    def head(wd_ref):
        hj = jax.nn.relu(
            lax.dot_general(seed_feat, wd_ref[...], (((1,), (0,)), ((), ())),
                            preferred_element_type=jnp.float32) + bd_ref[...])
        return lax.dot_general(hj, wct_ref[...], (((1,), (0,)), ((), ())),
                               preferred_element_type=jnp.float32) + bc_ref[...]

    return pred + head(wd0_ref), pred + head(wd1_ref)


def _fused_body(part_ref, partt_ref, pred_ref, w1t_ref, b1_ref, w2t_ref,
                b2_ref, wd0_ref, wd1_ref, bd_ref, wct_ref, bc_ref,
                o0_ref, o1_ref):
    part = part_ref[0]
    partt = partt_ref[0]
    pred = pred_ref[0]

    qq = jnp.sum(pred * pred, axis=1, keepdims=True)
    kk = jnp.sum(partt * partt, axis=0, keepdims=True)
    qk = lax.dot_general(pred, partt, (((1,), (0,)), ((), ())),
                         preferred_element_type=jnp.float32)
    d2 = qq + kk - 2.0 * qk

    t = jnp.min(d2, axis=1, keepdims=True)
    for _ in range(_K - 1):
        t = jnp.min(jnp.where(d2 > t, d2, jnp.inf), axis=1, keepdims=True)
    w = (d2 <= t).astype(jnp.float32)
    nsum = lax.dot_general(w, part, (((1,), (0,)), ((), ())),
                           preferred_element_type=jnp.float32)
    cnt = jnp.sum(w, axis=1, keepdims=True)
    nmean = nsum / cnt

    o0, o1 = _mlp_block(pred, nmean, w1t_ref, b1_ref, w2t_ref, b2_ref,
                        wd0_ref, wd1_ref, bd_ref, wct_ref, bc_ref)
    o0_ref[0] = o0
    o1_ref[0] = o1


def _mlp_body(pred_ref, nm_ref, w1t_ref, b1_ref, w2t_ref, b2_ref,
              wd0_ref, wd1_ref, bd_ref, wct_ref, bc_ref, o0_ref, o1_ref):
    o0, o1 = _mlp_block(pred_ref[0], nm_ref[0], w1t_ref, b1_ref, w2t_ref,
                        b2_ref, wd0_ref, wd1_ref, bd_ref, wct_ref, bc_ref)
    o0_ref[0] = o0
    o1_ref[0] = o1



def _sort16(x):
    k, _ = plsc.sort_key_val(x, x)
    return k


def _merge16(a, b):
    lo = jnp.minimum(a, lax.rev(b, (0,)))
    return _sort16(lo)


def _sc_knn_body(per_w, qchunk, wpb, keys_hbm, qb_hbm, out_hbm,
                 kx_v, ky_v, kz_v, qc_v, res_v):
    wid = lax.axis_index("s") * 2 + lax.axis_index("c")
    b = wid // wpb
    q0 = wid * per_w
    lane = jax.lax.iota(jnp.int32, _L)
    inf = jnp.float32(jnp.inf)
    M = kx_v.shape[0]

    pltpu.sync_copy(keys_hbm.at[pl.ds(pl.multiple_of((b * 3 + 0) * M, M), M)], kx_v)
    pltpu.sync_copy(keys_hbm.at[pl.ds(pl.multiple_of((b * 3 + 1) * M, M), M)], ky_v)
    pltpu.sync_copy(keys_hbm.at[pl.ds(pl.multiple_of((b * 3 + 2) * M, M), M)], kz_v)

    nchunk = M // _L

    def chunk_loop(qx, qy, qz, body, init):
        def step(c, carry):
            o = pl.multiple_of(c * _L, _L)
            kxc = kx_v[pl.ds(o, _L)]
            kyc = ky_v[pl.ds(o, _L)]
            kzc = kz_v[pl.ds(o, _L)]
            dx = qx - kxc
            dy = qy - kyc
            dz = qz - kzc
            d2 = dx * dx + dy * dy + dz * dz
            return body(d2, kxc, kyc, kzc, carry)
        return plsc.parallel_loop(0, nchunk, 1, unroll=4, carry=init)(step)

    def query_body(qi, _):
        qcl = qi % qchunk
        qo = pl.multiple_of(qcl * 3 * _L, _L)
        qx = qc_v[pl.ds(qo, _L)]
        qy = qc_v[pl.ds(qo + _L, _L)]
        qz = qc_v[pl.ds(qo + 2 * _L, _L)]

        def insert(d2, kxc, kyc, kzc, rs):
            t = d2
            out = []
            for r in rs:
                out.append(jnp.minimum(r, t))
                t = jnp.maximum(r, t)
            return tuple(out)

        rs = chunk_loop(qx, qy, qz, insert,
                        tuple(jnp.full((_L,), inf) for _ in range(_K)))

        s = [_sort16(r) for r in rs]
        m01 = _merge16(s[0], s[1])
        m23 = _merge16(s[2], s[3])
        m45 = _merge16(s[4], s[5])
        m67 = _merge16(s[6], s[7])
        top16 = _merge16(_merge16(m01, m23), _merge16(m45, m67))
        t8 = jnp.max(jnp.where(lane < _K, top16, -inf))
        t8v = jnp.full((_L,), t8)

        def accum(d2, kxc, kyc, kzc, carry):
            sx, sy, sz, sc = carry
            m = d2 <= t8v
            zero = jnp.zeros((_L,), jnp.float32)
            sx = sx + jnp.where(m, kxc, zero)
            sy = sy + jnp.where(m, kyc, zero)
            sz = sz + jnp.where(m, kzc, zero)
            sc = sc + jnp.where(m, jnp.ones((_L,), jnp.float32), zero)
            return sx, sy, sz, sc

        zero = jnp.zeros((_L,), jnp.float32)
        sx, sy, sz, sc = chunk_loop(qx, qy, qz, accum, (zero, zero, zero, zero))
        sxs = jnp.sum(sx)
        sys_ = jnp.sum(sy)
        szs = jnp.sum(sz)
        scs = jnp.sum(sc)
        res = jnp.where(lane == 0, sxs,
              jnp.where(lane == 1, sys_,
              jnp.where(lane == 2, szs,
              jnp.where(lane == 3, scs, 0.0)))).astype(jnp.float32)
        res_v[pl.ds(pl.multiple_of(qcl * _L, _L), _L)] = res
        return 0

    def qchunk_body(ch, _):
        qhbm0 = pl.multiple_of((q0 + ch * qchunk) * 3 * _L, _L)
        pltpu.sync_copy(qb_hbm.at[pl.ds(qhbm0, qchunk * 3 * _L)], qc_v)
        lax.fori_loop(0, qchunk, query_body, 0)
        ohbm0 = pl.multiple_of((q0 + ch * qchunk) * _L, _L)
        pltpu.sync_copy(res_v, out_hbm.at[pl.ds(ohbm0, qchunk * _L)])
        return 0

    lax.fori_loop(0, per_w // qchunk, qchunk_body, 0)


def _sc_knn(partial, pred_slice):
    B, M, _ = partial.shape
    _, NS, _ = pred_slice.shape
    BN = B * NS
    per_w = BN // _NW

    keys_flat = partial.transpose(0, 2, 1).reshape(B * 3 * M)
    qbv = jnp.broadcast_to(pred_slice.reshape(BN, 3, 1),
                           (BN, 3, _L)).reshape(BN * 3 * _L)

    qchunk = min(_QCHUNK, per_w)
    wpb = _NW // B
    mesh = plsc.VectorSubcoreMesh(core_axis_name="c", subcore_axis_name="s")
    knn = pl.kernel(
        functools.partial(_sc_knn_body, per_w, qchunk, wpb),
        mesh=mesh,
        compiler_params=pltpu.CompilerParams(needs_layout_passes=False),
        out_type=jax.ShapeDtypeStruct((BN * _L,), jnp.float32),
        scratch_types=[
            pltpu.VMEM((M,), jnp.float32),
            pltpu.VMEM((M,), jnp.float32),
            pltpu.VMEM((M,), jnp.float32),
            pltpu.VMEM((qchunk * 3 * _L,), jnp.float32),
            pltpu.VMEM((qchunk * _L,), jnp.float32),
        ],
    )
    res = knn(keys_flat, qbv)
    flat = res.reshape(BN, _L)
    nmean = flat[:, :3] / flat[:, 3:4]
    return nmean.reshape(B, NS, 3)


@jax.jit
def kernel(partial, predicted, W1, b1, W2, b2, Wd, bd, Wc, bc):
    B, M, _ = partial.shape
    _, N, _ = predicted.shape
    H = W1.shape[0]

    nsc = _NSC if (N > _NSC and ((N - _NSC) % _QB == 0)
                   and (B * _NSC) % (_NW * _QCHUNK) == 0) else 0
    nt = N - nsc

    w1t, w2t, wct = W1.T, W2.T, Wc.T
    wd0, wd1 = Wd[:, :, 0], Wd[:, :, 1]
    b1r, b2r = b1.reshape(1, H), b2.reshape(1, H)
    bdr, bcr = bd.reshape(1, H), bc.reshape(1, 3)
    partt = partial.transpose(0, 2, 1)
    weights = (w1t, b1r, w2t, b2r, wd0, wd1, bdr, wct, bcr)

    full = lambda shape: pl.BlockSpec(shape, lambda i, j: (0,) * len(shape))
    wspecs = [full((6, H)), full((1, H)), full((H, H)), full((1, H)),
              full((H, H)), full((H, H)), full((1, H)),
              full((H, 3)), full((1, 3))]

    qb = min(_QB, nt if nsc else N)
    pred_tc = predicted[:, :nt] if nsc else predicted

    if nsc:
        nmean_sc = _sc_knn(partial, predicted[:, nt:])

    o0t, o1t = pl.pallas_call(
        _fused_body,
        grid=(B, nt // qb),
        in_specs=[
            pl.BlockSpec((1, M, 3), lambda i, j: (i, 0, 0)),
            pl.BlockSpec((1, 3, M), lambda i, j: (i, 0, 0)),
            pl.BlockSpec((1, qb, 3), lambda i, j: (i, j, 0)),
        ] + wspecs,
        out_specs=[
            pl.BlockSpec((1, qb, 3), lambda i, j: (i, j, 0)),
            pl.BlockSpec((1, qb, 3), lambda i, j: (i, j, 0)),
        ],
        out_shape=[
            jax.ShapeDtypeStruct((B, nt, 3), jnp.float32),
            jax.ShapeDtypeStruct((B, nt, 3), jnp.float32),
        ],
        compiler_params=pltpu.CompilerParams(
            dimension_semantics=("parallel", "parallel")),
    )(partial, partt, pred_tc, *weights)

    if nsc:
        qbs = next(q for q in (512, 384, 256, 128, nsc) if nsc % q == 0)
        o0s, o1s = pl.pallas_call(
            _mlp_body,
            grid=(B, nsc // qbs),
            in_specs=[
                pl.BlockSpec((1, qbs, 3), lambda i, j: (i, j, 0)),
                pl.BlockSpec((1, qbs, 3), lambda i, j: (i, j, 0)),
            ] + wspecs,
            out_specs=[
                pl.BlockSpec((1, qbs, 3), lambda i, j: (i, j, 0)),
                pl.BlockSpec((1, qbs, 3), lambda i, j: (i, j, 0)),
            ],
            out_shape=[
                jax.ShapeDtypeStruct((B, nsc, 3), jnp.float32),
                jax.ShapeDtypeStruct((B, nsc, 3), jnp.float32),
            ],
            compiler_params=pltpu.CompilerParams(
                dimension_semantics=("parallel", "parallel")),
        )(predicted[:, nt:], nmean_sc, *weights)
        o0 = jnp.concatenate([o0t, o0s], axis=1)
        o1 = jnp.concatenate([o1t, o1s], axis=1)
    else:
        o0, o1 = o0t, o1t

    out = jnp.stack([o0, o1], axis=2)
    return out.reshape(B, N * 2, 3)

# --- scband reference (transcript-rebuilt; emitter-appended) ---
"""Pipeline reference for scband-local-refine-stage-84413287236173 (READ-ONLY COPY).

The authoritative reference and input builder live on the scoring server;
editing this copy changes nothing except your own understanding.
"""

import jax, jax.numpy as jnp
import numpy as np


def setup_inputs(seed: int = 0) -> dict:
    key = jax.random.key(seed)
    ks = jax.random.split(key, 10)
    B, M, N, H = 8, 8192, 4096, 128
    return {
        "partial": jax.random.normal(ks[0], (B, M, 3), dtype=jnp.float32),
        "predicted": jax.random.normal(ks[1], (B, N, 3), dtype=jnp.float32),
        "W1": jax.random.normal(ks[2], (H, 6), dtype=jnp.float32) * 0.05,
        "b1": jax.random.normal(ks[3], (H,), dtype=jnp.float32) * 0.05,
        "W2": jax.random.normal(ks[4], (H, H), dtype=jnp.float32) * 0.05,
        "b2": jax.random.normal(ks[5], (H,), dtype=jnp.float32) * 0.05,
        "Wd": jax.random.normal(ks[6], (H, H, 2), dtype=jnp.float32) * 0.05,
        "bd": jax.random.normal(ks[7], (H,), dtype=jnp.float32) * 0.05,
        "Wc": jax.random.normal(ks[8], (3, H), dtype=jnp.float32) * 0.05,
        "bc": jax.random.normal(ks[9], (3,), dtype=jnp.float32) * 0.05,
    }


def _local_knn(partial, predicted, k=8):
    # partial: [B,M,3], predicted: [B,N,3] -> [B,N,k,3]
    B = partial.shape[0]
    out = []
    for b in range(B):
        part_b = partial[b]
        pred_b = predicted[b]
        d2 = (jnp.sum(pred_b ** 2, axis=-1, keepdims=True)
              + jnp.sum(part_b ** 2, axis=-1)[None, :]
              - 2.0 * (pred_b @ part_b.T))
        dist = jnp.sqrt(jnp.maximum(d2, 0.0))
        _, knn_idx = jax.lax.top_k(-dist, k)  # k smallest distances
        out.append(jnp.take(part_b, knn_idx, axis=0))  # [N,k,3]
    return jnp.stack(out, axis=0)


def reference(partial, predicted, W1, b1, W2, b2, Wd, bd, Wc, bc):
    k = 8
    out_width = 2
    B, N, _ = predicted.shape
    neighs = _local_knn(partial, predicted, k=k)          # [B,N,k,3]
    neigh_mean = neighs.mean(axis=2)                      # [B,N,3]
    combined = jnp.concatenate([predicted, neigh_mean], axis=-1)  # [B,N,6]
    combined_2d = combined.reshape(B * N, 6)
    h = jax.nn.relu(combined_2d @ W1.T + b1)
    seed_feat = h @ W2.T + b2                             # [BN,H]
    # ConvTranspose1d(H,H,ks=2,stride=2) on length-1 input -> length-2 output
    # out[:, o, j] = sum_i x[:, i] * Wd[i, o, j] + bd[o]
    outs = []
    for j in range(out_width):
        hj = jax.nn.relu(seed_feat @ Wd[:, :, j] + bd)
        outs.append(hj @ Wc.T + bc)                       # Conv1d(H,3,ks=1)
    out_map = jnp.stack(outs, axis=1)                     # [BN, 2, 3] (already permuted)
    out_map_4d = out_map.reshape(B, N, out_width, 3)
    parent_4d = predicted.reshape(B, N, 1, 3)
    child_pts = parent_4d + out_map_4d
    final_pts = child_pts.reshape(B, N * out_width, 3)
    return final_pts

if __name__ == "__main__":
    import jax
    _d = setup_inputs()
    print(jax.jit(kernel)(*tuple(_d.values())))

</pallas_src>

<mosaic_0001>
#map = affine_map<(d0, d1) -> (0)>
module attributes {stable_mosaic.version = 14 : i64} {
  func.func @_sc_knn_body(%arg0: i32, %arg1: i32, %arg2: memref<196608xf32, #tpu.memory_space<hbm>>, %arg3: memref<393216xf32, #tpu.memory_space<hbm>>, %arg4: memref<131072xf32, #tpu.memory_space<hbm>>, %arg5: memref<8192xf32, #tpu.memory_space<vmem>>, %arg6: memref<8192xf32, #tpu.memory_space<vmem>>, %arg7: memref<8192xf32, #tpu.memory_space<vmem>>, %arg8: memref<1536xf32, #tpu.memory_space<vmem>>, %arg9: memref<512xf32, #tpu.memory_space<vmem>>) attributes {dimension_semantics = [#tpu.dimension_semantics<core_parallel>, #tpu.dimension_semantics<subcore_parallel>], iteration_bounds = array<i64: 2, 16>, scalar_prefetch = 0 : i64, scratch_operands = 5 : i64, tpu.core_type = #tpu.core_type<sc_vector_subcore>, window_params = [{transform_indices = #map}, {transform_indices = #map}, {transform_indices = #map}]} {
    %mul3A = arith.constant 2 : i32
    %mul3A_0 = arith.muli %arg1, %mul3A : i32
    %add3A = arith.addi %mul3A_0, %arg0 : i32
    %jit3A = arith.constant 4 : i32
    %div3A = arith.divsi %add3A, %jit3A : i32
    %sign3A = arith.constant 0 : i32
    %sign3A_1 = arith.cmpi sgt, %add3A, %sign3A : i32
    %sign3A_2 = arith.extui %sign3A_1 : i1 to i32
    %sign3A_3 = arith.constant 0 : i32
    %sign3A_4 = arith.cmpi slt, %add3A, %sign3A_3 : i32
    %sign3A_5 = arith.extui %sign3A_4 : i1 to i32
    %sign3A_6 = arith.subi %sign3A_2, %sign3A_5 : i32
    %sign3A_7 = arith.constant 0 : i32
    %sign3A_8 = arith.cmpi sgt, %jit3A, %sign3A_7 : i32
    %sign3A_9 = arith.extui %sign3A_8 : i1 to i32
    %sign3A_10 = arith.constant 0 : i32
    %sign3A_11 = arith.cmpi slt, %jit3A, %sign3A_10 : i32
    %sign3A_12 = arith.extui %sign3A_11 : i1 to i32
    %sign3A_13 = arith.subi %sign3A_9, %sign3A_12 : i32
    %ne3A = arith.cmpi ne, %sign3A_6, %sign3A_13 : i32
    %rem3A = arith.remsi %add3A, %jit3A : i32
    %ne3A_14 = arith.constant 0 : i32
    %ne3A_15 = arith.cmpi ne, %rem3A, %ne3A_14 : i32
    %and3A = arith.andi %ne3A, %ne3A_15 : i1
    %sub3A = arith.constant 1 : i32
    %sub3A_16 = arith.subi %div3A, %sub3A : i32
    %select_n3A = arith.select %and3A, %sub3A_16, %div3A : i32
    %mul3A_17 = arith.constant 256 : i32
    %mul3A_18 = arith.muli %add3A, %mul3A_17 : i32
    %iota3A = tpu.iota {dimensions = array<i32: 0>} : vector<16xi32>
    %mul3A_19 = arith.constant 3 : i32
    %mul3A_20 = arith.muli %select_n3A, %mul3A_19 : i32
    %add3A_21 = arith.constant 0 : i32
    %add3A_22 = arith.addi %mul3A_20, %add3A_21 : i32
    %mul3A_23 = arith.constant 8192 : i32
    %mul3A_24 = arith.muli %add3A_22, %mul3A_23 : i32
    %multiple_of3A = tpu.assume_multiple %mul3A_24, 8192 : i32
    "tpu.region"() ({
      %run_scoped3A = tpu.sem_alloc : memref<!tpu.dma_semaphore, #tpu.memory_space<semaphore_mem>>
      %dma_start3A = tpu.memref_slice %arg2[%multiple_of3A] : memref<196608xf32, #tpu.memory_space<hbm>> -> memref<8192xf32, #tpu.memory_space<hbm>>
      %dma_start3A_46 = tpu.memref_slice %arg2[%multiple_of3A] : memref<196608xf32, #tpu.memory_space<hbm>> -> memref<8192xf32, #tpu.memory_space<hbm>>
      tpu.enqueue_dma source(%dma_start3A_46 : memref<8192xf32, #tpu.memory_space<hbm>>) target(%arg5 : memref<8192xf32, #tpu.memory_space<vmem>>) target_semaphore(%run_scoped3A : memref<!tpu.dma_semaphore, #tpu.memory_space<semaphore_mem>>)
      %dma_wait3A = tpu.memref_slice %arg2[%multiple_of3A] : memref<196608xf32, #tpu.memory_space<hbm>> -> memref<8192xf32, #tpu.memory_space<hbm>>
      %dma_wait3A_47 = tpu.memref_slice %arg2[%multiple_of3A] : memref<196608xf32, #tpu.memory_space<hbm>> -> memref<8192xf32, #tpu.memory_space<hbm>>
      tpu.wait_dma2 semaphore(%run_scoped3A : memref<!tpu.dma_semaphore, #tpu.memory_space<semaphore_mem>>) src(%dma_wait3A_47 : memref<8192xf32, #tpu.memory_space<hbm>>) dst(%arg5 : memref<8192xf32, #tpu.memory_space<vmem>>)
      tpu.yield
    }) : () -> ()
    %mul3A_25 = arith.constant 3 : i32
    %mul3A_26 = arith.muli %select_n3A, %mul3A_25 : i32
    %add3A_27 = arith.constant 1 : i32
    %add3A_28 = arith.addi %mul3A_26, %add3A_27 : i32
    %mul3A_29 = arith.constant 8192 : i32
    %mul3A_30 = arith.muli %add3A_28, %mul3A_29 : i32
    %multiple_of3A_31 = tpu.assume_multiple %mul3A_30, 8192 : i32
    "tpu.region"() ({
      %run_scoped3A = tpu.sem_alloc : memref<!tpu.dma_semaphore, #tpu.memory_space<semaphore_mem>>
      %dma_start3A = tpu.memref_slice %arg2[%multiple_of3A_31] : memref<196608xf32, #tpu.memory_space<hbm>> -> memref<8192xf32, #tpu.memory_space<hbm>>
      %dma_start3A_46 = tpu.memref_slice %arg2[%multiple_of3A_31] : memref<196608xf32, #tpu.memory_space<hbm>> -> memref<8192xf32, #tpu.memory_space<hbm>>
      tpu.enqueue_dma source(%dma_start3A_46 : memref<8192xf32, #tpu.memory_space<hbm>>) target(%arg6 : memref<8192xf32, #tpu.memory_space<vmem>>) target_semaphore(%run_scoped3A : memref<!tpu.dma_semaphore, #tpu.memory_space<semaphore_mem>>)
      %dma_wait3A = tpu.memref_slice %arg2[%multiple_of3A_31] : memref<196608xf32, #tpu.memory_space<hbm>> -> memref<8192xf32, #tpu.memory_space<hbm>>
      %dma_wait3A_47 = tpu.memref_slice %arg2[%multiple_of3A_31] : memref<196608xf32, #tpu.memory_space<hbm>> -> memref<8192xf32, #tpu.memory_space<hbm>>
      tpu.wait_dma2 semaphore(%run_scoped3A : memref<!tpu.dma_semaphore, #tpu.memory_space<semaphore_mem>>) src(%dma_wait3A_47 : memref<8192xf32, #tpu.memory_space<hbm>>) dst(%arg6 : memref<8192xf32, #tpu.memory_space<vmem>>)
      tpu.yield
    }) : () -> ()
    %mul3A_32 = arith.constant 3 : i32
    %mul3A_33 = arith.muli %select_n3A, %mul3A_32 : i32
    %add3A_34 = arith.constant 2 : i32
    %add3A_35 = arith.addi %mul3A_33, %add3A_34 : i32
    %mul3A_36 = arith.constant 8192 : i32
    %mul3A_37 = arith.muli %add3A_35, %mul3A_36 : i32
    %multiple_of3A_38 = tpu.assume_multiple %mul3A_37, 8192 : i32
    "tpu.region"() ({
      %run_scoped3A = tpu.sem_alloc : memref<!tpu.dma_semaphore, #tpu.memory_space<semaphore_mem>>
      %dma_start3A = tpu.memref_slice %arg2[%multiple_of3A_38] : memref<196608xf32, #tpu.memory_space<hbm>> -> memref<8192xf32, #tpu.memory_space<hbm>>
      %dma_start3A_46 = tpu.memref_slice %arg2[%multiple_of3A_38] : memref<196608xf32, #tpu.memory_space<hbm>> -> memref<8192xf32, #tpu.memory_space<hbm>>
      tpu.enqueue_dma source(%dma_start3A_46 : memref<8192xf32, #tpu.memory_space<hbm>>) target(%arg7 : memref<8192xf32, #tpu.memory_space<vmem>>) target_semaphore(%run_scoped3A : memref<!tpu.dma_semaphore, #tpu.memory_space<semaphore_mem>>)
      %dma_wait3A = tpu.memref_slice %arg2[%multiple_of3A_38] : memref<196608xf32, #tpu.memory_space<hbm>> -> memref<8192xf32, #tpu.memory_space<hbm>>
      %dma_wait3A_47 = tpu.memref_slice %arg2[%multiple_of3A_38] : memref<196608xf32, #tpu.memory_space<hbm>> -> memref<8192xf32, #tpu.memory_space<hbm>>
      tpu.wait_dma2 semaphore(%run_scoped3A : memref<!tpu.dma_semaphore, #tpu.memory_space<semaphore_mem>>) src(%dma_wait3A_47 : memref<8192xf32, #tpu.memory_space<hbm>>) dst(%arg7 : memref<8192xf32, #tpu.memory_space<vmem>>)
      tpu.yield
    }) : () -> ()
    %scan3A = arith.constant 0x7F800000 : f32
    %scan3A_39 = arith.constant 0 : i32
    %scan3A_40 = arith.constant 0 : i32
    %scan3A_41 = arith.constant 8 : i32
    %scan3A_42 = arith.addi %scan3A_40, %scan3A_41 : i32
    %scan3A_43 = arith.constant 1 : i32
    %scan3A_44 = scf.for %scan3A_46 = %scan3A_40 to %scan3A_42 step %scan3A_43 iter_args(%scan3A_47 = %scan3A_39) -> (i32)  : i32 {
      %mul3A_48 = arith.constant 32 : i32
      %mul3A_49 = arith.muli %scan3A_46, %mul3A_48 : i32
      %add3A_50 = arith.addi %mul3A_18, %mul3A_49 : i32
      %mul3A_51 = arith.constant 3 : i32
      %mul3A_52 = arith.muli %add3A_50, %mul3A_51 : i32
      %mul3A_53 = arith.constant 16 : i32
      %mul3A_54 = arith.muli %mul3A_52, %mul3A_53 : i32
      %multiple_of3A_55 = tpu.assume_multiple %mul3A_54, 16 : i32
      "tpu.region"() ({
        %run_scoped3A = tpu.sem_alloc : memref<!tpu.dma_semaphore, #tpu.memory_space<semaphore_mem>>
        %dma_start3A = tpu.memref_slice %arg3[%multiple_of3A_55] : memref<393216xf32, #tpu.memory_space<hbm>> -> memref<1536xf32, #tpu.memory_space<hbm>>
        %dma_start3A_70 = tpu.memref_slice %arg3[%multiple_of3A_55] : memref<393216xf32, #tpu.memory_space<hbm>> -> memref<1536xf32, #tpu.memory_space<hbm>>
        tpu.enqueue_dma source(%dma_start3A_70 : memref<1536xf32, #tpu.memory_space<hbm>>) target(%arg8 : memref<1536xf32, #tpu.memory_space<vmem>>) target_semaphore(%run_scoped3A : memref<!tpu.dma_semaphore, #tpu.memory_space<semaphore_mem>>)
        %dma_wait3A = tpu.memref_slice %arg3[%multiple_of3A_55] : memref<393216xf32, #tpu.memory_space<hbm>> -> memref<1536xf32, #tpu.memory_space<hbm>>
        %dma_wait3A_71 = tpu.memref_slice %arg3[%multiple_of3A_55] : memref<393216xf32, #tpu.memory_space<hbm>> -> memref<1536xf32, #tpu.memory_space<hbm>>
        tpu.wait_dma2 semaphore(%run_scoped3A : memref<!tpu.dma_semaphore, #tpu.memory_space<semaphore_mem>>) src(%dma_wait3A_71 : memref<1536xf32, #tpu.memory_space<hbm>>) dst(%arg8 : memref<1536xf32, #tpu.memory_space<vmem>>)
        tpu.yield
      }) : () -> ()
      %scan3A_56 = arith.constant 0 : i32
      %scan3A_57 = arith.constant 0 : i32
      %scan3A_58 = arith.constant 32 : i32
      %scan3A_59 = arith.addi %scan3A_57, %scan3A_58 : i32
      %scan3A_60 = arith.constant 1 : i32
      %scan3A_61 = scf.for %scan3A_70 = %scan3A_57 to %scan3A_59 step %scan3A_60 iter_args(%scan3A_71 = %scan3A_56) -> (i32)  : i32 {
        %jit3A_72 = arith.constant 32 : i32
        %eq3A = arith.constant 0 : i32
        %eq3A_73 = arith.cmpi eq, %jit3A_72, %eq3A : i32
        %jit3A_74 = arith.constant 1 : i32
        %select_n3A_75 = arith.select %eq3A_73, %jit3A_74, %jit3A_72 : i32
        %rem3A_76 = arith.remsi %scan3A_70, %select_n3A_75 : i32
        %ne3A_77 = arith.constant 0 : i32
        %ne3A_78 = arith.cmpi ne, %rem3A_76, %ne3A_77 : i32
        %lt3A = arith.constant 0 : i32
        %lt3A_79 = arith.cmpi slt, %rem3A_76, %lt3A : i32
        %lt3A_80 = arith.constant 0 : i32
        %lt3A_81 = arith.cmpi slt, %select_n3A_75, %lt3A_80 : i32
        %ne3A_82 = arith.xori %lt3A_79, %lt3A_81 : i1
        %and3A_83 = arith.andi %ne3A_82, %ne3A_78 : i1
        %add3A_84 = arith.addi %rem3A_76, %select_n3A_75 : i32
        %select_n3A_85 = arith.select %and3A_83, %add3A_84, %rem3A_76 : i32
        %mul3A_86 = arith.constant 3 : i32
        %mul3A_87 = arith.muli %select_n3A_85, %mul3A_86 : i32
        %mul3A_88 = arith.constant 16 : i32
        %mul3A_89 = arith.muli %mul3A_87, %mul3A_88 : i32
        %multiple_of3A_90 = tpu.assume_multiple %mul3A_89, 16 : i32
        %get3A = arith.index_cast %multiple_of3A_90 : i32 to index
        %get3A_91 = tpu.vector_load %arg8[%get3A] {strides = array<i32>} : memref<1536xf32, #tpu.memory_space<vmem>>, vector<16xf32>,
        %add3A_92 = arith.constant 16 : i32
        %add3A_93 = arith.addi %multiple_of3A_90, %add3A_92 : i32
        %get3A_94 = arith.index_cast %add3A_93 : i32 to index
        %get3A_95 = tpu.vector_load %arg8[%get3A_94] {strides = array<i32>} : memref<1536xf32, #tpu.memory_space<vmem>>, vector<16xf32>,
        %add3A_96 = arith.constant 32 : i32
        %add3A_97 = arith.addi %multiple_of3A_90, %add3A_96 : i32
        %get3A_98 = arith.index_cast %add3A_97 : i32 to index
        %get3A_99 = tpu.vector_load %arg8[%get3A_98] {strides = array<i32>} : memref<1536xf32, #tpu.memory_space<vmem>>, vector<16xf32>,
        %broadcast_in_dim3A = vector.broadcast %scan3A : f32 to vector<16xf32>
        %broadcast_in_dim3A_100 = vector.broadcast %scan3A : f32 to vector<16xf32>
        %broadcast_in_dim3A_101 = vector.broadcast %scan3A : f32 to vector<16xf32>
        %broadcast_in_dim3A_102 = vector.broadcast %scan3A : f32 to vector<16xf32>
        %broadcast_in_dim3A_103 = vector.broadcast %scan3A : f32 to vector<16xf32>
        %broadcast_in_dim3A_104 = vector.broadcast %scan3A : f32 to vector<16xf32>
        %broadcast_in_dim3A_105 = vector.broadcast %scan3A : f32 to vector<16xf32>
        %broadcast_in_dim3A_106 = vector.broadcast %scan3A : f32 to vector<16xf32>
        %parallel_loop3A = arith.constant 0 : i32
        %parallel_loop3A_107 = arith.constant 512 : i32
        %parallel_loop3A_108 = arith.constant 1 : i32
        %parallel_loop3A_109:8 = scf.for %parallel_loop3A_267 = %parallel_loop3A to %parallel_loop3A_107 step %parallel_loop3A_108 iter_args(%parallel_loop3A_268 = %broadcast_in_dim3A, %parallel_loop3A_269 = %broadcast_in_dim3A_100, %parallel_loop3A_270 = %broadcast_in_dim3A_101, %parallel_loop3A_271 = %broadcast_in_dim3A_102, %parallel_loop3A_272 = %broadcast_in_dim3A_103, %parallel_loop3A_273 = %broadcast_in_dim3A_104, %parallel_loop3A_274 = %broadcast_in_dim3A_105, %parallel_loop3A_275 = %broadcast_in_dim3A_106) -> (vector<16xf32>, vector<16xf32>, vector<16xf32>, vector<16xf32>, vector<16xf32>, vector<16xf32>, vector<16xf32>, vector<16xf32>)  : i32 {
          %parallel_loop3A_276 = arith.constant 16 : i32
          %parallel_loop3A_277 = arith.muli %parallel_loop3A_267, %parallel_loop3A_276 : i32
          %parallel_loop3A_278 = tpu.assume_multiple %parallel_loop3A_277, 16 : i32
          %parallel_loop3A_279 = arith.index_cast %parallel_loop3A_278 : i32 to index
          %parallel_loop3A_280 = tpu.vector_load %arg5[%parallel_loop3A_279] {strides = array<i32>} : memref<8192xf32, #tpu.memory_space<vmem>>, vector<16xf32>,
          %parallel_loop3A_281 = arith.index_cast %parallel_loop3A_278 : i32 to index
          %parallel_loop3A_282 = tpu.vector_load %arg6[%parallel_loop3A_281] {strides = array<i32>} : memref<8192xf32, #tpu.memory_space<vmem>>, vector<16xf32>,
          %parallel_loop3A_283 = arith.index_cast %parallel_loop3A_278 : i32 to index
          %parallel_loop3A_284 = tpu.vector_load %arg7[%parallel_loop3A_283] {strides = array<i32>} : memref<8192xf32, #tpu.memory_space<vmem>>, vector<16xf32>,
          %parallel_loop3A_285 = arith.subf %get3A_91, %parallel_loop3A_280 : vector<16xf32>
          %parallel_loop3A_286 = arith.subf %get3A_95, %parallel_loop3A_282 : vector<16xf32>
          %parallel_loop3A_287 = arith.subf %get3A_99, %parallel_loop3A_284 : vector<16xf32>
          %parallel_loop3A_288 = arith.mulf %parallel_loop3A_285, %parallel_loop3A_285 : vector<16xf32>
          %parallel_loop3A_289 = arith.mulf %parallel_loop3A_286, %parallel_loop3A_286 : vector<16xf32>
          %parallel_loop3A_290 = arith.addf %parallel_loop3A_288, %parallel_loop3A_289 : vector<16xf32>
          %parallel_loop3A_291 = arith.mulf %parallel_loop3A_287, %parallel_loop3A_287 : vector<16xf32>
          %parallel_loop3A_292 = arith.addf %parallel_loop3A_290, %parallel_loop3A_291 : vector<16xf32>
          %parallel_loop3A_293 = arith.minimumf %parallel_loop3A_268, %parallel_loop3A_292 : vector<16xf32>
          %parallel_loop3A_294 = arith.maximumf %parallel_loop3A_268, %parallel_loop3A_292 : vector<16xf32>
          %parallel_loop3A_295 = arith.minimumf %parallel_loop3A_269, %parallel_loop3A_294 : vector<16xf32>
          %parallel_loop3A_296 = arith.maximumf %parallel_loop3A_269, %parallel_loop3A_294 : vector<16xf32>
          %parallel_loop3A_297 = arith.minimumf %parallel_loop3A_270, %parallel_loop3A_296 : vector<16xf32>
          %parallel_loop3A_298 = arith.maximumf %parallel_loop3A_270, %parallel_loop3A_296 : vector<16xf32>
          %parallel_loop3A_299 = arith.minimumf %parallel_loop3A_271, %parallel_loop3A_298 : vector<16xf32>
          %parallel_loop3A_300 = arith.maximumf %parallel_loop3A_271, %parallel_loop3A_298 : vector<16xf32>
          %parallel_loop3A_301 = arith.minimumf %parallel_loop3A_272, %parallel_loop3A_300 : vector<16xf32>
          %parallel_loop3A_302 = arith.maximumf %parallel_loop3A_272, %parallel_loop3A_300 : vector<16xf32>
          %parallel_loop3A_303 = arith.minimumf %parallel_loop3A_273, %parallel_loop3A_302 : vector<16xf32>
          %parallel_loop3A_304 = arith.maximumf %parallel_loop3A_273, %parallel_loop3A_302 : vector<16xf32>
          %parallel_loop3A_305 = arith.minimumf %parallel_loop3A_274, %parallel_loop3A_304 : vector<16xf32>
          %parallel_loop3A_306 = arith.maximumf %parallel_loop3A_274, %parallel_loop3A_304 : vector<16xf32>
          %parallel_loop3A_307 = arith.minimumf %parallel_loop3A_275, %parallel_loop3A_306 : vector<16xf32>
          %parallel_loop3A_308 = arith.maximumf %parallel_loop3A_275, %parallel_loop3A_306 : vector<16xf32>
          scf.yield %parallel_loop3A_293, %parallel_loop3A_295, %parallel_loop3A_297, %parallel_loop3A_299, %parallel_loop3A_301, %parallel_loop3A_303, %parallel_loop3A_305, %parallel_loop3A_307 : vector<16xf32>, vector<16xf32>, vector<16xf32>, vector<16xf32>, vector<16xf32>, vector<16xf32>, vector<16xf32>, vector<16xf32>
        } {sc.loop_unroll_factor = 4 : i64, sc.parallel_access}
        %masked_sort3A = arith.constant dense<true> : vector<16xi1>
        %masked_sort3A_110, %masked_sort3A_111, %masked_sort3A_112 = tpu.sort %parallel_loop3A_109#0, %parallel_loop3A_109#0 masked %masked_sort3A : (vector<16xf32>, vector<16xf32>, vector<16xi1>) -> (vector<16xi1>, vector<16xf32>, vector<16xf32>)
        %masked_sort3A_113 = arith.constant dense<true> : vector<16xi1>
        %masked_sort3A_114, %masked_sort3A_115, %masked_sort3A_116 = tpu.sort %parallel_loop3A_109#1, %parallel_loop3A_109#1 masked %masked_sort3A_113 : (vector<16xf32>, vector<16xf32>, vector<16xi1>) -> (vector<16xi1>, vector<16xf32>, vector<16xf32>)
        %masked_sort3A_117 = arith.constant dense<true> : vector<16xi1>
        %masked_sort3A_118, %masked_sort3A_119, %masked_sort3A_120 = tpu.sort %parallel_loop3A_109#2, %parallel_loop3A_109#2 masked %masked_sort3A_117 : (vector<16xf32>, vector<16xf32>, vector<16xi1>) -> (vector<16xi1>, vector<16xf32>, vector<16xf32>)
        %masked_sort3A_121 = arith.constant dense<true> : vector<16xi1>
        %masked_sort3A_122, %masked_sort3A_123, %masked_sort3A_124 = tpu.sort %parallel_loop3A_109#3, %parallel_loop3A_109#3 masked %masked_sort3A_121 : (vector<16xf32>, vector<16xf32>, vector<16xi1>) -> (vector<16xi1>, vector<16xf32>, vector<16xf32>)
        %masked_sort3A_125 = arith.constant dense<true> : vector<16xi1>
        %masked_sort3A_126, %masked_sort3A_127, %masked_sort3A_128 = tpu.sort %parallel_loop3A_109#4, %parallel_loop3A_109#4 masked %masked_sort3A_125 : (vector<16xf32>, vector<16xf32>, vector<16xi1>) -> (vector<16xi1>, vector<16xf32>, vector<16xf32>)
        %masked_sort3A_129 = arith.constant dense<true> : vector<16xi1>
        %masked_sort3A_130, %masked_sort3A_131, %masked_sort3A_132 = tpu.sort %parallel_loop3A_109#5, %parallel_loop3A_109#5 masked %masked_sort3A_129 : (vector<16xf32>, vector<16xf32>, vector<16xi1>) -> (vector<16xi1>, vector<16xf32>, vector<16xf32>)
        %masked_sort3A_133 = arith.constant dense<true> : vector<16xi1>
        %masked_sort3A_134, %masked_sort3A_135, %masked_sort3A_136 = tpu.sort %parallel_loop3A_109#6, %parallel_loop3A_109#6 masked %masked_sort3A_133 : (vector<16xf32>, vector<16xf32>, vector<16xi1>) -> (vector<16xi1>, vector<16xf32>, vector<16xf32>)
        %masked_sort3A_137 = arith.constant dense<true> : vector<16xi1>
        %masked_sort3A_138, %masked_sort3A_139, %masked_sort3A_140 = tpu.sort %parallel_loop3A_109#7, %parallel_loop3A_109#7 masked %masked_sort3A_137 : (vector<16xf32>, vector<16xf32>, vector<16xi1>) -> (vector<16xi1>, vector<16xf32>, vector<16xf32>)
        %rev3A = arith.constant 15 : i32
        %rev3A_141 = vector.broadcast %rev3A : i32 to vector<16xi32>
        %rev3A_142 = tpu.iota {dimensions = array<i32: 0>} : vector<16xi32>
        %rev3A_143 = arith.subi %rev3A_141, %rev3A_142 : vector<16xi32>
        %rev3A_144 = tpu.dynamic_gather %masked_sort3A_115[%rev3A_143] in [0] : vector<16xf32>, vector<16xi32> -> vector<16xf32>
        %min3A = arith.minimumf %masked_sort3A_111, %rev3A_144 : vector<16xf32>
        %masked_sort3A_145 = arith.constant dense<true> : vector<16xi1>
        %masked_sort3A_146, %masked_sort3A_147, %masked_sort3A_148 = tpu.sort %min3A, %min3A masked %masked_sort3A_145 : (vector<16xf32>, vector<16xf32>, vector<16xi1>) -> (vector<16xi1>, vector<16xf32>, vector<16xf32>)
        %rev3A_149 = arith.constant 15 : i32
        %rev3A_150 = vector.broadcast %rev3A_149 : i32 to vector<16xi32>
        %rev3A_151 = tpu.iota {dimensions = array<i32: 0>} : vector<16xi32>
        %rev3A_152 = arith.subi %rev3A_150, %rev3A_151 : vector<16xi32>
        %rev3A_153 = tpu.dynamic_gather %masked_sort3A_123[%rev3A_152] in [0] : vector<16xf32>, vector<16xi32> -> vector<16xf32>
        %min3A_154 = arith.minimumf %masked_sort3A_119, %rev3A_153 : vector<16xf32>
        %masked_sort3A_155 = arith.constant dense<true> : vector<16xi1>
        %masked_sort3A_156, %masked_sort3A_157, %masked_sort3A_158 = tpu.sort %min3A_154, %min3A_154 masked %masked_sort3A_155 : (vector<16xf32>, vector<16xf32>, vector<16xi1>) -> (vector<16xi1>, vector<16xf32>, vector<16xf32>)
        %rev3A_159 = arith.constant 15 : i32
        %rev3A_160 = vector.broadcast %rev3A_159 : i32 to vector<16xi32>
        %rev3A_161 = tpu.iota {dimensions = array<i32: 0>} : vector<16xi32>
        %rev3A_162 = arith.subi %rev3A_160, %rev3A_161 : vector<16xi32>
        %rev3A_163 = tpu.dynamic_gather %masked_sort3A_131[%rev3A_162] in [0] : vector<16xf32>, vector<16xi32> -> vector<16xf32>
        %min3A_164 = arith.minimumf %masked_sort3A_127, %rev3A_163 : vector<16xf32>
        %masked_sort3A_165 = arith.constant dense<true> : vector<16xi1>
        %masked_sort3A_166, %masked_sort3A_167, %masked_sort3A_168 = tpu.sort %min3A_164, %min3A_164 masked %masked_sort3A_165 : (vector<16xf32>, vector<16xf32>, vector<16xi1>) -> (vector<16xi1>, vector<16xf32>, vector<16xf32>)
        %rev3A_169 = arith.constant 15 : i32
        %rev3A_170 = vector.broadcast %rev3A_169 : i32 to vector<16xi32>
        %rev3A_171 = tpu.iota {dimensions = array<i32: 0>} : vector<16xi32>
        %rev3A_172 = arith.subi %rev3A_170, %rev3A_171 : vector<16xi32>
        %rev3A_173 = tpu.dynamic_gather %masked_sort3A_139[%rev3A_172] in [0] : vector<16xf32>, vector<16xi32> -> vector<16xf32>
        %min3A_174 = arith.minimumf %masked_sort3A_135, %rev3A_173 : vector<16xf32>
        %masked_sort3A_175 = arith.constant dense<true> : vector<16xi1>
        %masked_sort3A_176, %masked_sort3A_177, %masked_sort3A_178 = tpu.sort %min3A_174, %min3A_174 masked %masked_sort3A_175 : (vector<16xf32>, vector<16xf32>, vector<16xi1>) -> (vector<16xi1>, vector<16xf32>, vector<16xf32>)
        %rev3A_179 = arith.constant 15 : i32
        %rev3A_180 = vector.broadcast %rev3A_179 : i32 to vector<16xi32>
        %rev3A_181 = tpu.iota {dimensions = array<i32: 0>} : vector<16xi32>
        %rev3A_182 = arith.subi %rev3A_180, %rev3A_181 : vector<16xi32>
        %rev3A_183 = tpu.dynamic_gather %masked_sort3A_157[%rev3A_182] in [0] : vector<16xf32>, vector<16xi32> -> vector<16xf32>
        %min3A_184 = arith.minimumf %masked_sort3A_147, %rev3A_183 : vector<16xf32>
        %masked_sort3A_185 = arith.constant dense<true> : vector<16xi1>
        %masked_sort3A_186, %masked_sort3A_187, %masked_sort3A_188 = tpu.sort %min3A_184, %min3A_184 masked %masked_sort3A_185 : (vector<16xf32>, vector<16xf32>, vector<16xi1>) -> (vector<16xi1>, vector<16xf32>, vector<16xf32>)
        %rev3A_189 = arith.constant 15 : i32
        %rev3A_190 = vector.broadcast %rev3A_189 : i32 to vector<16xi32>
        %rev3A_191 = tpu.iota {dimensions = array<i32: 0>} : vector<16xi32>
        %rev3A_192 = arith.subi %rev3A_190, %rev3A_191 : vector<16xi32>
        %rev3A_193 = tpu.dynamic_gather %masked_sort3A_177[%rev3A_192] in [0] : vector<16xf32>, vector<16xi32> -> vector<16xf32>
        %min3A_194 = arith.minimumf %masked_sort3A_167, %rev3A_193 : vector<16xf32>
        %masked_sort3A_195 = arith.constant dense<true> : vector<16xi1>
        %masked_sort3A_196, %masked_sort3A_197, %masked_sort3A_198 = tpu.sort %min3A_194, %min3A_194 masked %masked_sort3A_195 : (vector<16xf32>, vector<16xf32>, vector<16xi1>) -> (vector<16xi1>, vector<16xf32>, vector<16xf32>)
        %rev3A_199 = arith.constant 15 : i32
        %rev3A_200 = vector.broadcast %rev3A_199 : i32 to vector<16xi32>
        %rev3A_201 = tpu.iota {dimensions = array<i32: 0>} : vector<16xi32>
        %rev3A_202 = arith.subi %rev3A_200, %rev3A_201 : vector<16xi32>
        %rev3A_203 = tpu.dynamic_gather %masked_sort3A_197[%rev3A_202] in [0] : vector<16xf32>, vector<16xi32> -> vector<16xf32>
        %min3A_204 = arith.minimumf %masked_sort3A_187, %rev3A_203 : vector<16xf32>
        %masked_sort3A_205 = arith.constant dense<true> : vector<16xi1>
        %masked_sort3A_206, %masked_sort3A_207, %masked_sort3A_208 = tpu.sort %min3A_204, %min3A_204 masked %masked_sort3A_205 : (vector<16xf32>, vector<16xf32>, vector<16xi1>) -> (vector<16xi1>, vector<16xf32>, vector<16xf32>)
        %lt3A_209 = arith.constant 8 : i32
        %lt3A_210 = vector.broadcast %lt3A_209 : i32 to vector<16xi32>
        %lt3A_211 = arith.cmpi slt, %iota3A, %lt3A_210 : vector<16xi32>
        %neg3A = arith.constant 0.000000e+00 : f32
        %neg3A_212 = arith.subf %neg3A, %scan3A : f32
        %broadcast_in_dim3A_213 = vector.broadcast %neg3A_212 : f32 to vector<16xf32>
        %select_n3A_214 = arith.select %lt3A_211, %masked_sort3A_207, %broadcast_in_dim3A_213 : vector<16xi1>, vector<16xf32>
        %reduce_max3A = arith.constant true
        %reduce_max3A_215 = vector.broadcast %reduce_max3A : i1 to vector<16xi1>
        %reduce_max3A_216 = tpu.scan <max>, %select_n3A_214 masked %reduce_max3A_215 : vector<16xf32>, vector<16xi1> -> vector<16xf32>
        %reduce_max3A_217 = vector.extract %reduce_max3A_216[15] : f32 from vector<16xf32>
        %broadcast_in_dim3A_218 = vector.broadcast %reduce_max3A_217 : f32 to vector<16xf32>
        %broadcast_in_dim3A_219 = arith.constant 0.000000e+00 : f32
        %broadcast_in_dim3A_220 = vector.broadcast %broadcast_in_dim3A_219 : f32 to vector<16xf32>
        %parallel_loop3A_221 = arith.constant 0 : i32
        %parallel_loop3A_222 = arith.constant 512 : i32
        %parallel_loop3A_223 = arith.constant 1 : i32
        %parallel_loop3A_224:4 = scf.for %parallel_loop3A_267 = %parallel_loop3A_221 to %parallel_loop3A_222 step %parallel_loop3A_223 iter_args(%parallel_loop3A_268 = %broadcast_in_dim3A_220, %parallel_loop3A_269 = %broadcast_in_dim3A_220, %parallel_loop3A_270 = %broadcast_in_dim3A_220, %parallel_loop3A_271 = %broadcast_in_dim3A_220) -> (vector<16xf32>, vector<16xf32>, vector<16xf32>, vector<16xf32>)  : i32 {
          %parallel_loop3A_272 = arith.constant 16 : i32
          %parallel_loop3A_273 = arith.muli %parallel_loop3A_267, %parallel_loop3A_272 : i32
          %parallel_loop3A_274 = tpu.assume_multiple %parallel_loop3A_273, 16 : i32
          %parallel_loop3A_275 = arith.index_cast %parallel_loop3A_274 : i32 to index
          %parallel_loop3A_276 = tpu.vector_load %arg5[%parallel_loop3A_275] {strides = array<i32>} : memref<8192xf32, #tpu.memory_space<vmem>>, vector<16xf32>,
          %parallel_loop3A_277 = arith.index_cast %parallel_loop3A_274 : i32 to index
          %parallel_loop3A_278 = tpu.vector_load %arg6[%parallel_loop3A_277] {strides = array<i32>} : memref<8192xf32, #tpu.memory_space<vmem>>, vector<16xf32>,
          %parallel_loop3A_279 = arith.index_cast %parallel_loop3A_274 : i32 to index
          %parallel_loop3A_280 = tpu.vector_load %arg7[%parallel_loop3A_279] {strides = array<i32>} : memref<8192xf32, #tpu.memory_space<vmem>>, vector<16xf32>,
          %parallel_loop3A_281 = arith.subf %get3A_91, %parallel_loop3A_276 : vector<16xf32>
          %parallel_loop3A_282 = arith.subf %get3A_95, %parallel_loop3A_278 : vector<16xf32>
          %parallel_loop3A_283 = arith.subf %get3A_99, %parallel_loop3A_280 : vector<16xf32>
          %parallel_loop3A_284 = arith.mulf %parallel_loop3A_281, %parallel_loop3A_281 : vector<16xf32>
          %parallel_loop3A_285 = arith.mulf %parallel_loop3A_282, %parallel_loop3A_282 : vector<16xf32>
          %parallel_loop3A_286 = arith.addf %parallel_loop3A_284, %parallel_loop3A_285 : vector<16xf32>
          %parallel_loop3A_287 = arith.mulf %parallel_loop3A_283, %parallel_loop3A_283 : vector<16xf32>
          %parallel_loop3A_288 = arith.addf %parallel_loop3A_286, %parallel_loop3A_287 : vector<16xf32>
          %parallel_loop3A_289 = arith.cmpf ole, %parallel_loop3A_288, %broadcast_in_dim3A_218 : vector<16xf32>
          %parallel_loop3A_290 = arith.constant 0.000000e+00 : f32
          %parallel_loop3A_291 = vector.broadcast %parallel_loop3A_290 : f32 to vector<16xf32>
          %parallel_loop3A_292 = arith.select %parallel_loop3A_289, %parallel_loop3A_276, %parallel_loop3A_291 : vector<16xi1>, vector<16xf32>
          %parallel_loop3A_293 = arith.addf %parallel_loop3A_268, %parallel_loop3A_292 : vector<16xf32>
          %parallel_loop3A_294 = arith.select %parallel_loop3A_289, %parallel_loop3A_278, %parallel_loop3A_291 : vector<16xi1>, vector<16xf32>
          %parallel_loop3A_295 = arith.addf %parallel_loop3A_269, %parallel_loop3A_294 : vector<16xf32>
          %parallel_loop3A_296 = arith.select %parallel_loop3A_289, %parallel_loop3A_280, %parallel_loop3A_291 : vector<16xi1>, vector<16xf32>
          %parallel_loop3A_297 = arith.addf %parallel_loop3A_270, %parallel_loop3A_296 : vector<16xf32>
          %parallel_loop3A_298 = arith.constant 1.000000e+00 : f32
          %parallel_loop3A_299 = vector.broadcast %parallel_loop3A_298 : f32 to vector<16xf32>
          %parallel_loop3A_300 = arith.select %parallel_loop3A_289, %parallel_loop3A_299, %parallel_loop3A_291 : vector<16xi1>, vector<16xf32>
          %parallel_loop3A_301 = arith.addf %parallel_loop3A_271, %parallel_loop3A_300 : vector<16xf32>
          scf.yield %parallel_loop3A_293, %parallel_loop3A_295, %parallel_loop3A_297, %parallel_loop3A_301 : vector<16xf32>, vector<16xf32>, vector<16xf32>, vector<16xf32>
        } {sc.loop_unroll_factor = 4 : i64, sc.parallel_access}
        %reduce_sum3A = arith.constant true
        %reduce_sum3A_225 = vector.broadcast %reduce_sum3A : i1 to vector<16xi1>
        %reduce_sum3A_226 = tpu.scan <sum>, %parallel_loop3A_224#0 masked %reduce_sum3A_225 : vector<16xf32>, vector<16xi1> -> vector<16xf32>
        %reduce_sum3A_227 = vector.extract %reduce_sum3A_226[15] : f32 from vector<16xf32>
        %reduce_sum3A_228 = arith.constant true
        %reduce_sum3A_229 = vector.broadcast %reduce_sum3A_228 : i1 to vector<16xi1>
        %reduce_sum3A_230 = tpu.scan <sum>, %parallel_loop3A_224#1 masked %reduce_sum3A_229 : vector<16xf32>, vector<16xi1> -> vector<16xf32>
        %reduce_sum3A_231 = vector.extract %reduce_sum3A_230[15] : f32 from vector<16xf32>
        %reduce_sum3A_232 = arith.constant true
        %reduce_sum3A_233 = vector.broadcast %reduce_sum3A_232 : i1 to vector<16xi1>
        %reduce_sum3A_234 = tpu.scan <sum>, %parallel_loop3A_224#2 masked %reduce_sum3A_233 : vector<16xf32>, vector<16xi1> -> vector<16xf32>
        %reduce_sum3A_235 = vector.extract %reduce_sum3A_234[15] : f32 from vector<16xf32>
        %reduce_sum3A_236 = arith.constant true
        %reduce_sum3A_237 = vector.broadcast %reduce_sum3A_236 : i1 to vector<16xi1>
        %reduce_sum3A_238 = tpu.scan <sum>, %parallel_loop3A_224#3 masked %reduce_sum3A_237 : vector<16xf32>, vector<16xi1> -> vector<16xf32>
        %reduce_sum3A_239 = vector.extract %reduce_sum3A_238[15] : f32 from vector<16xf32>
        %eq3A_240 = arith.constant 0 : i32
        %eq3A_241 = vector.broadcast %eq3A_240 : i32 to vector<16xi32>
        %eq3A_242 = arith.cmpi eq, %iota3A, %eq3A_241 : vector<16xi32>
        %eq3A_243 = arith.constant 1 : i32
        %eq3A_244 = vector.broadcast %eq3A_243 : i32 to vector<16xi32>
        %eq3A_245 = arith.cmpi eq, %iota3A, %eq3A_244 : vector<16xi32>
        %eq3A_246 = arith.constant 2 : i32
        %eq3A_247 = vector.broadcast %eq3A_246 : i32 to vector<16xi32>
        %eq3A_248 = arith.cmpi eq, %iota3A, %eq3A_247 : vector<16xi32>
        %eq3A_249 = arith.constant 3 : i32
        %eq3A_250 = vector.broadcast %eq3A_249 : i32 to vector<16xi32>
        %eq3A_251 = arith.cmpi eq, %iota3A, %eq3A_250 : vector<16xi32>
        %jit3A_252 = arith.constant 0.000000e+00 : f32
        %broadcast_in_dim3A_253 = vector.broadcast %reduce_sum3A_239 : f32 to vector<16xf32>
        %broadcast_in_dim3A_254 = vector.broadcast %jit3A_252 : f32 to vector<16xf32>
        %select_n3A_255 = arith.select %eq3A_251, %broadcast_in_dim3A_253, %broadcast_in_dim3A_254 : vector<16xi1>, vector<16xf32>
        %broadcast_in_dim3A_256 = vector.broadcast %reduce_sum3A_235 : f32 to vector<16xf32>
        %select_n3A_257 = arith.select %eq3A_248, %broadcast_in_dim3A_256, %select_n3A_255 : vector<16xi1>, vector<16xf32>
        %broadcast_in_dim3A_258 = vector.broadcast %reduce_sum3A_231 : f32 to vector<16xf32>
        %select_n3A_259 = arith.select %eq3A_245, %broadcast_in_dim3A_258, %select_n3A_257 : vector<16xi1>, vector<16xf32>
        %broadcast_in_dim3A_260 = vector.broadcast %reduce_sum3A_227 : f32 to vector<16xf32>
        %select_n3A_261 = arith.select %eq3A_242, %broadcast_in_dim3A_260, %select_n3A_259 : vector<16xi1>, vector<16xf32>
        %mul3A_262 = arith.constant 16 : i32
        %mul3A_263 = arith.muli %select_n3A_85, %mul3A_262 : i32
        %multiple_of3A_264 = tpu.assume_multiple %mul3A_263, 16 : i32
        %swap3A = arith.index_cast %multiple_of3A_264 : i32 to index
        %swap3A_265 = tpu.vector_load %arg9[%swap3A] {strides = array<i32>} : memref<512xf32, #tpu.memory_space<vmem>>, vector<16xf32>,
        tpu.vector_store %arg9[%swap3A], %select_n3A_261 {strides = array<i32>} : memref<512xf32, #tpu.memory_space<vmem>>, vector<16xf32>,
        %scan3A_266 = arith.constant 0 : i32
        scf.yield %scan3A_266 : i32
      }
      %scan3A_62 = arith.constant 32 : i32
      %mul3A_63 = arith.constant 32 : i32
      %mul3A_64 = arith.muli %scan3A_46, %mul3A_63 : i32
      %add3A_65 = arith.addi %mul3A_18, %mul3A_64 : i32
      %mul3A_66 = arith.constant 16 : i32
      %mul3A_67 = arith.muli %add3A_65, %mul3A_66 : i32
      %multiple_of3A_68 = tpu.assume_multiple %mul3A_67, 16 : i32
      "tpu.region"() ({
        %run_scoped3A = tpu.sem_alloc : memref<!tpu.dma_semaphore, #tpu.memory_space<semaphore_mem>>
        %dma_start3A = tpu.memref_slice %arg4[%multiple_of3A_68] : memref<131072xf32, #tpu.memory_space<hbm>> -> memref<512xf32, #tpu.memory_space<hbm>>
        %dma_start3A_70 = tpu.memref_slice %arg4[%multiple_of3A_68] : memref<131072xf32, #tpu.memory_space<hbm>> -> memref<512xf32, #tpu.memory_space<hbm>>
        tpu.enqueue_dma source(%arg9 : memref<512xf32, #tpu.memory_space<vmem>>) target(%dma_start3A_70 : memref<512xf32, #tpu.memory_space<hbm>>) target_semaphore(%run_scoped3A : memref<!tpu.dma_semaphore, #tpu.memory_space<semaphore_mem>>)
        %dma_wait3A = tpu.memref_slice %arg4[%multiple_of3A_68] : memref<131072xf32, #tpu.memory_space<hbm>> -> memref<512xf32, #tpu.memory_space<hbm>>
        %dma_wait3A_71 = tpu.memref_slice %arg4[%multiple_of3A_68] : memref<131072xf32, #tpu.memory_space<hbm>> -> memref<512xf32, #tpu.memory_space<hbm>>
        tpu.wait_dma2 semaphore(%run_scoped3A : memref<!tpu.dma_semaphore, #tpu.memory_space<semaphore_mem>>) src(%arg9 : memref<512xf32, #tpu.memory_space<vmem>>) dst(%dma_wait3A_71 : memref<512xf32, #tpu.memory_space<hbm>>)
        tpu.yield
      }) : () -> ()
      %scan3A_69 = arith.constant 0 : i32
      scf.yield %scan3A_69 : i32
    }
    %scan3A_45 = arith.constant 8 : i32
    return
  }
}

module attributes {stable_mosaic.version = 14 : i64} {
  func.func @_fused_body(%arg0: i32, %arg1: i32, %arg2: memref<1x8192x3xf32, #tpu.memory_space<vmem>>, %arg3: memref<1x3x8192xf32, #tpu.memory_space<vmem>>, %arg4: memref<1x256x3xf32, #tpu.memory_space<vmem>>, %arg5: memref<6x128xf32, #tpu.memory_space<vmem>>, %arg6: memref<1x128xf32, #tpu.memory_space<vmem>>, %arg7: memref<128x128xf32, #tpu.memory_space<vmem>>, %arg8: memref<1x128xf32, #tpu.memory_space<vmem>>, %arg9: memref<128x128xf32, #tpu.memory_space<vmem>>, %arg10: memref<128x128xf32, #tpu.memory_space<vmem>>, %arg11: memref<1x128xf32, #tpu.memory_space<vmem>>, %arg12: memref<128x3xf32, #tpu.memory_space<vmem>>, %arg13: memref<1x3xf32, #tpu.memory_space<vmem>>, %arg14: memref<1x256x3xf32, #tpu.memory_space<vmem>>, %arg15: memref<1x256x3xf32, #tpu.memory_space<vmem>>) attributes {dimension_semantics = [#tpu.dimension_semantics<parallel>, #tpu.dimension_semantics<parallel>], iteration_bounds = array<i64: 8, 12>, scalar_prefetch = 0 : i64, scratch_operands = 0 : i64, tpu.core_type = #tpu.core_type<tc>, window_params = [{transform_indices = @transform_0, window_bounds = array<i64: 1, 8192, 3>}, {transform_indices = @transform_1, window_bounds = array<i64: 1, 3, 8192>}, {transform_indices = @transform_2, window_bounds = array<i64: 1, 256, 3>}, {pipeline_mode = #tpu.pipeline_mode<synchronous>, transform_indices = @transform_3, window_bounds = array<i64: 6, 128>}, {pipeline_mode = #tpu.pipeline_mode<synchronous>, transform_indices = @transform_4, window_bounds = array<i64: 1, 128>}, {pipeline_mode = #tpu.pipeline_mode<synchronous>, transform_indices = @transform_5, window_bounds = array<i64: 128, 128>}, {pipeline_mode = #tpu.pipeline_mode<synchronous>, transform_indices = @transform_6, window_bounds = array<i64: 1, 128>}, {pipeline_mode = #tpu.pipeline_mode<synchronous>, transform_indices = @transform_7, window_bounds = array<i64: 128, 128>}, {pipeline_mode = #tpu.pipeline_mode<synchronous>, transform_indices = @transform_8, window_bounds = array<i64: 128, 128>}, {pipeline_mode = #tpu.pipeline_mode<synchronous>, transform_indices = @transform_9, window_bounds = array<i64: 1, 128>}, {pipeline_mode = #tpu.pipeline_mode<synchronous>, transform_indices = @transform_10, window_bounds = array<i64: 128, 3>}, {pipeline_mode = #tpu.pipeline_mode<synchronous>, transform_indices = @transform_11, window_bounds = array<i64: 1, 3>}, {transform_indices = @transform_12, window_bounds = array<i64: 1, 256, 3>}, {transform_indices = @transform_13, window_bounds = array<i64: 1, 256, 3>}]} {
    %get3A = arith.constant 0 : index
    %get3A_0 = arith.constant 0 : index
    %get3A_1 = arith.constant 0 : index
    %get3A_2 = vector.load %arg2[%get3A, %get3A_0, %get3A_1] : memref<1x8192x3xf32, #tpu.memory_space<vmem>>, vector<1x8192x3xf32>
    %get3A_3 = vector.shape_cast %get3A_2 : vector<1x8192x3xf32> to vector<8192x3xf32>
    %get3A_4 = arith.constant 0 : index
    %get3A_5 = arith.constant 0 : index
    %get3A_6 = arith.constant 0 : index
    %get3A_7 = vector.load %arg3[%get3A_4, %get3A_5, %get3A_6] : memref<1x3x8192xf32, #tpu.memory_space<vmem>>, vector<1x3x8192xf32>
    %get3A_8 = vector.shape_cast %get3A_7 : vector<1x3x8192xf32> to vector<3x8192xf32>
    %get3A_9 = arith.constant 0 : index
    %get3A_10 = arith.constant 0 : index
    %get3A_11 = arith.constant 0 : index
    %get3A_12 = vector.load %arg4[%get3A_9, %get3A_10, %get3A_11] : memref<1x256x3xf32, #tpu.memory_space<vmem>>, vector<1x256x3xf32>
    %get3A_13 = vector.shape_cast %get3A_12 : vector<1x256x3xf32> to vector<256x3xf32>
    %mul3A = arith.mulf %get3A_13, %get3A_13 : vector<256x3xf32>
    %reduce_sum3A = arith.constant dense<0.000000e+00> : vector<256xf32>
    %reduce_sum3A_14 = vector.multi_reduction <add>, %mul3A, %reduce_sum3A [1] : vector<256x3xf32> to vector<256xf32>
    %broadcast_in_dim3A = vector.shape_cast %reduce_sum3A_14 : vector<256xf32> to vector<256x1xf32>
    %mul3A_15 = arith.mulf %get3A_8, %get3A_8 : vector<3x8192xf32>
    %reduce_sum3A_16 = arith.constant dense<0.000000e+00> : vector<8192xf32>
    %reduce_sum3A_17 = vector.multi_reduction <add>, %mul3A_15, %reduce_sum3A_16 [0] : vector<3x8192xf32> to vector<8192xf32>
    %broadcast_in_dim3A_18 = vector.shape_cast %reduce_sum3A_17 : vector<8192xf32> to vector<1x8192xf32>
    %dot_general3A = arith.constant dense<0.000000e+00> : vector<256x8192xf32>
    %dot_general3A_19 = tpu.matmul %get3A_13, %get3A_8, %dot_general3A {dimension_numbers = #tpu.dot_dimension_numbers<[1], [0], [0], [1], [0, 0, 1, 1], [], []>, transpose_lhs_hint = false} : vector<256x3xf32>, vector<3x8192xf32>, vector<256x8192xf32> -> vector<256x8192xf32>
    %add3A = vector.broadcast %broadcast_in_dim3A : vector<256x1xf32> to vector<256x8192xf32>
    %add3A_20 = vector.broadcast %broadcast_in_dim3A_18 : vector<1x8192xf32> to vector<256x8192xf32>
    %add3A_21 = arith.addf %add3A, %add3A_20 : vector<256x8192xf32>
    %mul3A_22 = arith.constant 2.000000e+00 : f32
    %mul3A_23 = vector.broadcast %mul3A_22 : f32 to vector<256x8192xf32>
    %mul3A_24 = arith.mulf %mul3A_23, %dot_general3A_19 : vector<256x8192xf32>
    %sub3A = arith.subf %add3A_21, %mul3A_24 : vector<256x8192xf32>
    %reduce_min3A = arith.constant dense<0x7F800000> : vector<256xf32>
    %reduce_min3A_25 = vector.multi_reduction <minimumf>, %sub3A, %reduce_min3A [1] : vector<256x8192xf32> to vector<256xf32>
    %broadcast_in_dim3A_26 = vector.shape_cast %reduce_min3A_25 : vector<256xf32> to vector<256x1xf32>
    %gt3A = vector.broadcast %broadcast_in_dim3A_26 : vector<256x1xf32> to vector<256x8192xf32>
    %gt3A_27 = arith.cmpf ogt, %sub3A, %gt3A : vector<256x8192xf32>
    %jit3A = arith.constant 0x7F800000 : f32
    %broadcast_in_dim3A_28 = vector.broadcast %jit3A : f32 to vector<256x8192xf32>
    %select_n3A = arith.select %gt3A_27, %sub3A, %broadcast_in_dim3A_28 : vector<256x8192xi1>, vector<256x8192xf32>
    %reduce_min3A_29 = arith.constant dense<0x7F800000> : vector<256xf32>
    %reduce_min3A_30 = vector.multi_reduction <minimumf>, %select_n3A, %reduce_min3A_29 [1] : vector<256x8192xf32> to vector<256xf32>
    %broadcast_in_dim3A_31 = vector.shape_cast %reduce_min3A_30 : vector<256xf32> to vector<256x1xf32>
    %gt3A_32 = vector.broadcast %broadcast_in_dim3A_31 : vector<256x1xf32> to vector<256x8192xf32>
    %gt3A_33 = arith.cmpf ogt, %sub3A, %gt3A_32 : vector<256x8192xf32>
    %jit3A_34 = arith.constant 0x7F800000 : f32
    %broadcast_in_dim3A_35 = vector.broadcast %jit3A_34 : f32 to vector<256x8192xf32>
    %select_n3A_36 = arith.select %gt3A_33, %sub3A, %broadcast_in_dim3A_35 : vector<256x8192xi1>, vector<256x8192xf32>
    %reduce_min3A_37 = arith.constant dense<0x7F800000> : vector<256xf32>
    %reduce_min3A_38 = vector.multi_reduction <minimumf>, %select_n3A_36, %reduce_min3A_37 [1] : vector<256x8192xf32> to vector<256xf32>
    %broadcast_in_dim3A_39 = vector.shape_cast %reduce_min3A_38 : vector<256xf32> to vector<256x1xf32>
    %gt3A_40 = vector.broadcast %broadcast_in_dim3A_39 : vector<256x1xf32> to vector<256x8192xf32>
    %gt3A_41 = arith.cmpf ogt, %sub3A, %gt3A_40 : vector<256x8192xf32>
    %jit3A_42 = arith.constant 0x7F800000 : f32
    %broadcast_in_dim3A_43 = vector.broadcast %jit3A_42 : f32 to vector<256x8192xf32>
    %select_n3A_44 = arith.select %gt3A_41, %sub3A, %broadcast_in_dim3A_43 : vector<256x8192xi1>, vector<256x8192xf32>
    %reduce_min3A_45 = arith.constant dense<0x7F800000> : vector<256xf32>
    %reduce_min3A_46 = vector.multi_reduction <minimumf>, %select_n3A_44, %reduce_min3A_45 [1] : vector<256x8192xf32> to vector<256xf32>
    %broadcast_in_dim3A_47 = vector.shape_cast %reduce_min3A_46 : vector<256xf32> to vector<256x1xf32>
    %gt3A_48 = vector.broadcast %broadcast_in_dim3A_47 : vector<256x1xf32> to vector<256x8192xf32>
    %gt3A_49 = arith.cmpf ogt, %sub3A, %gt3A_48 : vector<256x8192xf32>
    %jit3A_50 = arith.constant 0x7F800000 : f32
    %broadcast_in_dim3A_51 = vector.broadcast %jit3A_50 : f32 to vector<256x8192xf32>
    %select_n3A_52 = arith.select %gt3A_49, %sub3A, %broadcast_in_dim3A_51 : vector<256x8192xi1>, vector<256x8192xf32>
    %reduce_min3A_53 = arith.constant dense<0x7F800000> : vector<256xf32>
    %reduce_min3A_54 = vector.multi_reduction <minimumf>, %select_n3A_52, %reduce_min3A_53 [1] : vector<256x8192xf32> to vector<256xf32>
    %broadcast_in_dim3A_55 = vector.shape_cast %reduce_min3A_54 : vector<256xf32> to vector<256x1xf32>
    %gt3A_56 = vector.broadcast %broadcast_in_dim3A_55 : vector<256x1xf32> to vector<256x8192xf32>
    %gt3A_57 = arith.cmpf ogt, %sub3A, %gt3A_56 : vector<256x8192xf32>
    %jit3A_58 = arith.constant 0x7F800000 : f32
    %broadcast_in_dim3A_59 = vector.broadcast %jit3A_58 : f32 to vector<256x8192xf32>
    %select_n3A_60 = arith.select %gt3A_57, %sub3A, %broadcast_in_dim3A_59 : vector<256x8192xi1>, vector<256x8192xf32>
    %reduce_min3A_61 = arith.constant dense<0x7F800000> : vector<256xf32>
    %reduce_min3A_62 = vector.multi_reduction <minimumf>, %select_n3A_60, %reduce_min3A_61 [1] : vector<256x8192xf32> to vector<256xf32>
    %broadcast_in_dim3A_63 = vector.shape_cast %reduce_min3A_62 : vector<256xf32> to vector<256x1xf32>
    %gt3A_64 = vector.broadcast %broadcast_in_dim3A_63 : vector<256x1xf32> to vector<256x8192xf32>
    %gt3A_65 = arith.cmpf ogt, %sub3A, %gt3A_64 : vector<256x8192xf32>
    %jit3A_66 = arith.constant 0x7F800000 : f32
    %broadcast_in_dim3A_67 = vector.broadcast %jit3A_66 : f32 to vector<256x8192xf32>
    %select_n3A_68 = arith.select %gt3A_65, %sub3A, %broadcast_in_dim3A_67 : vector<256x8192xi1>, vector<256x8192xf32>
    %reduce_min3A_69 = arith.constant dense<0x7F800000> : vector<256xf32>
    %reduce_min3A_70 = vector.multi_reduction <minimumf>, %select_n3A_68, %reduce_min3A_69 [1] : vector<256x8192xf32> to vector<256xf32>
    %broadcast_in_dim3A_71 = vector.shape_cast %reduce_min3A_70 : vector<256xf32> to vector<256x1xf32>
    %gt3A_72 = vector.broadcast %broadcast_in_dim3A_71 : vector<256x1xf32> to vector<256x8192xf32>
    %gt3A_73 = arith.cmpf ogt, %sub3A, %gt3A_72 : vector<256x8192xf32>
    %jit3A_74 = arith.constant 0x7F800000 : f32
    %broadcast_in_dim3A_75 = vector.broadcast %jit3A_74 : f32 to vector<256x8192xf32>
    %select_n3A_76 = arith.select %gt3A_73, %sub3A, %broadcast_in_dim3A_75 : vector<256x8192xi1>, vector<256x8192xf32>
    %reduce_min3A_77 = arith.constant dense<0x7F800000> : vector<256xf32>
    %reduce_min3A_78 = vector.multi_reduction <minimumf>, %select_n3A_76, %reduce_min3A_77 [1] : vector<256x8192xf32> to vector<256xf32>
    %broadcast_in_dim3A_79 = vector.shape_cast %reduce_min3A_78 : vector<256xf32> to vector<256x1xf32>
    %le3A = vector.broadcast %broadcast_in_dim3A_79 : vector<256x1xf32> to vector<256x8192xf32>
    %le3A_80 = arith.cmpf ole, %sub3A, %le3A : vector<256x8192xf32>
    %convert_element_type3A = arith.extui %le3A_80 : vector<256x8192xi1> to vector<256x8192xi32>
    %convert_element_type3A_81 = arith.sitofp %convert_element_type3A : vector<256x8192xi32> to vector<256x8192xf32>
    %dot_general3A_82 = arith.constant dense<0.000000e+00> : vector<256x3xf32>
    %dot_general3A_83 = tpu.matmul %convert_element_type3A_81, %get3A_3, %dot_general3A_82 {dimension_numbers = #tpu.dot_dimension_numbers<[1], [0], [0], [1], [0, 0, 1, 1], [], []>, transpose_lhs_hint = false} : vector<256x8192xf32>, vector<8192x3xf32>, vector<256x3xf32> -> vector<256x3xf32>
    %reduce_sum3A_84 = arith.constant dense<0.000000e+00> : vector<256xf32>
    %reduce_sum3A_85 = vector.multi_reduction <add>, %convert_element_type3A_81, %reduce_sum3A_84 [1] : vector<256x8192xf32> to vector<256xf32>
    %broadcast_in_dim3A_86 = vector.shape_cast %reduce_sum3A_85 : vector<256xf32> to vector<256x1xf32>
    %div3A = vector.broadcast %broadcast_in_dim3A_86 : vector<256x1xf32> to vector<256x3xf32>
    %div3A_87 = arith.divf %dot_general3A_83, %div3A : vector<256x3xf32>
    %concatenate3A = tpu.concatenate %get3A_13, %div3A_87 in 1 : vector<256x3xf32>, vector<256x3xf32> -> vector<256x6xf32>
    %get3A_88 = arith.constant 0 : index
    %get3A_89 = arith.constant 0 : index
    %get3A_90 = vector.load %arg5[%get3A_88, %get3A_89] : memref<6x128xf32, #tpu.memory_space<vmem>>, vector<6x128xf32>
    %dot_general3A_91 = arith.constant dense<0.000000e+00> : vector<256x128xf32>
    %dot_general3A_92 = tpu.matmul %concatenate3A, %get3A_90, %dot_general3A_91 {dimension_numbers = #tpu.dot_dimension_numbers<[1], [0], [0], [1], [0, 0, 1, 1], [], []>, transpose_lhs_hint = false} : vector<256x6xf32>, vector<6x128xf32>, vector<256x128xf32> -> vector<256x128xf32>
    %get3A_93 = arith.constant 0 : index
    %get3A_94 = arith.constant 0 : index
    %get3A_95 = vector.load %arg6[%get3A_93, %get3A_94] : memref<1x128xf32, #tpu.memory_space<vmem>>, vector<1x128xf32>
    %add3A_96 = vector.broadcast %get3A_95 : vector<1x128xf32> to vector<256x128xf32>
    %add3A_97 = arith.addf %dot_general3A_92, %add3A_96 : vector<256x128xf32>
    %max3A = arith.constant 0.000000e+00 : f32
    %max3A_98 = vector.broadcast %max3A : f32 to vector<256x128xf32>
    %max3A_99 = arith.maximumf %add3A_97, %max3A_98 : vector<256x128xf32>
    %get3A_100 = arith.constant 0 : index
    %get3A_101 = arith.constant 0 : index
    %get3A_102 = vector.load %arg7[%get3A_100, %get3A_101] : memref<128x128xf32, #tpu.memory_space<vmem>>, vector<128x128xf32>
    %dot_general3A_103 = arith.constant dense<0.000000e+00> : vector<256x128xf32>
    %dot_general3A_104 = tpu.matmul %max3A_99, %get3A_102, %dot_general3A_103 {dimension_numbers = #tpu.dot_dimension_numbers<[1], [0], [0], [1], [0, 0, 1, 1], [], []>, transpose_lhs_hint = false} : vector<256x128xf32>, vector<128x128xf32>, vector<256x128xf32> -> vector<256x128xf32>
    %get3A_105 = arith.constant 0 : index
    %get3A_106 = arith.constant 0 : index
    %get3A_107 = vector.load %arg8[%get3A_105, %get3A_106] : memref<1x128xf32, #tpu.memory_space<vmem>>, vector<1x128xf32>
    %add3A_108 = vector.broadcast %get3A_107 : vector<1x128xf32> to vector<256x128xf32>
    %add3A_109 = arith.addf %dot_general3A_104, %add3A_108 : vector<256x128xf32>
    %get3A_110 = arith.constant 0 : index
    %get3A_111 = arith.constant 0 : index
    %get3A_112 = vector.load %arg9[%get3A_110, %get3A_111] : memref<128x128xf32, #tpu.memory_space<vmem>>, vector<128x128xf32>
    %dot_general3A_113 = arith.constant dense<0.000000e+00> : vector<256x128xf32>
    %dot_general3A_114 = tpu.matmul %add3A_109, %get3A_112, %dot_general3A_113 {dimension_numbers = #tpu.dot_dimension_numbers<[1], [0], [0], [1], [0, 0, 1, 1], [], []>, transpose_lhs_hint = false} : vector<256x128xf32>, vector<128x128xf32>, vector<256x128xf32> -> vector<256x128xf32>
    %get3A_115 = arith.constant 0 : index
    %get3A_116 = arith.constant 0 : index
    %get3A_117 = vector.load %arg11[%get3A_115, %get3A_116] : memref<1x128xf32, #tpu.memory_space<vmem>>, vector<1x128xf32>
    %add3A_118 = vector.broadcast %get3A_117 : vector<1x128xf32> to vector<256x128xf32>
    %add3A_119 = arith.addf %dot_general3A_114, %add3A_118 : vector<256x128xf32>
    %max3A_120 = arith.constant 0.000000e+00 : f32
    %max3A_121 = vector.broadcast %max3A_120 : f32 to vector<256x128xf32>
    %max3A_122 = arith.maximumf %add3A_119, %max3A_121 : vector<256x128xf32>
    %get3A_123 = arith.constant 0 : index
    %get3A_124 = arith.constant 0 : index
    %get3A_125 = vector.load %arg12[%get3A_123, %get3A_124] : memref<128x3xf32, #tpu.memory_space<vmem>>, vector<128x3xf32>
    %dot_general3A_126 = arith.constant dense<0.000000e+00> : vector<256x3xf32>
    %dot_general3A_127 = tpu.matmul %max3A_122, %get3A_125, %dot_general3A_126 {dimension_numbers = #tpu.dot_dimension_numbers<[1], [0], [0], [1], [0, 0, 1, 1], [], []>, transpose_lhs_hint = false} : vector<256x128xf32>, vector<128x3xf32>, vector<256x3xf32> -> vector<256x3xf32>
    %get3A_128 = arith.constant 0 : index
    %get3A_129 = arith.constant 0 : index
    %get3A_130 = vector.load %arg13[%get3A_128, %get3A_129] : memref<1x3xf32, #tpu.memory_space<vmem>>, vector<1x3xf32>
    %add3A_131 = vector.broadcast %get3A_130 : vector<1x3xf32> to vector<256x3xf32>
    %add3A_132 = arith.addf %dot_general3A_127, %add3A_131 : vector<256x3xf32>
    %add3A_133 = arith.addf %get3A_13, %add3A_132 : vector<256x3xf32>
    %get3A_134 = arith.constant 0 : index
    %get3A_135 = arith.constant 0 : index
    %get3A_136 = vector.load %arg10[%get3A_134, %get3A_135] : memref<128x128xf32, #tpu.memory_space<vmem>>, vector<128x128xf32>
    %dot_general3A_137 = arith.constant dense<0.000000e+00> : vector<256x128xf32>
    %dot_general3A_138 = tpu.matmul %add3A_109, %get3A_136, %dot_general3A_137 {dimension_numbers = #tpu.dot_dimension_numbers<[1], [0], [0], [1], [0, 0, 1, 1], [], []>, transpose_lhs_hint = false} : vector<256x128xf32>, vector<128x128xf32>, vector<256x128xf32> -> vector<256x128xf32>
    %get3A_139 = arith.constant 0 : index
    %get3A_140 = arith.constant 0 : index
    %get3A_141 = vector.load %arg11[%get3A_139, %get3A_140] : memref<1x128xf32, #tpu.memory_space<vmem>>, vector<1x128xf32>
    %add3A_142 = vector.broadcast %get3A_141 : vector<1x128xf32> to vector<256x128xf32>
    %add3A_143 = arith.addf %dot_general3A_138, %add3A_142 : vector<256x128xf32>
    %max3A_144 = arith.constant 0.000000e+00 : f32
    %max3A_145 = vector.broadcast %max3A_144 : f32 to vector<256x128xf32>
    %max3A_146 = arith.maximumf %add3A_143, %max3A_145 : vector<256x128xf32>
    %get3A_147 = arith.constant 0 : index
    %get3A_148 = arith.constant 0 : index
    %get3A_149 = vector.load %arg12[%get3A_147, %get3A_148] : memref<128x3xf32, #tpu.memory_space<vmem>>, vector<128x3xf32>
    %dot_general3A_150 = arith.constant dense<0.000000e+00> : vector<256x3xf32>
    %dot_general3A_151 = tpu.matmul %max3A_146, %get3A_149, %dot_general3A_150 {dimension_numbers = #tpu.dot_dimension_numbers<[1], [0], [0], [1], [0, 0, 1, 1], [], []>, transpose_lhs_hint = false} : vector<256x128xf32>, vector<128x3xf32>, vector<256x3xf32> -> vector<256x3xf32>
    %get3A_152 = arith.constant 0 : index
    %get3A_153 = arith.constant 0 : index
    %get3A_154 = vector.load %arg13[%get3A_152, %get3A_153] : memref<1x3xf32, #tpu.memory_space<vmem>>, vector<1x3xf32>
    %add3A_155 = vector.broadcast %get3A_154 : vector<1x3xf32> to vector<256x3xf32>
    %add3A_156 = arith.addf %dot_general3A_151, %add3A_155 : vector<256x3xf32>
    %add3A_157 = arith.addf %get3A_13, %add3A_156 : vector<256x3xf32>
    %swap3A = arith.constant 0 : index
    %swap3A_158 = arith.constant 0 : index
    %swap3A_159 = arith.constant 0 : index
    %swap3A_160 = vector.load %arg14[%swap3A, %swap3A_158, %swap3A_159] : memref<1x256x3xf32, #tpu.memory_space<vmem>>, vector<1x256x3xf32>
    %swap3A_161 = vector.shape_cast %swap3A_160 : vector<1x256x3xf32> to vector<256x3xf32>
    %swap3A_162 = vector.shape_cast %add3A_133 : vector<256x3xf32> to vector<1x256x3xf32>
    tpu.vector_store %arg14[%swap3A, %swap3A_158, %swap3A_159], %swap3A_162 {strides = array<i32>} : memref<1x256x3xf32, #tpu.memory_space<vmem>>, vector<1x256x3xf32>,
    %swap3A_163 = arith.constant 0 : index
    %swap3A_164 = arith.constant 0 : index
    %swap3A_165 = arith.constant 0 : index
    %swap3A_166 = vector.load %arg15[%swap3A_163, %swap3A_164, %swap3A_165] : memref<1x256x3xf32, #tpu.memory_space<vmem>>, vector<1x256x3xf32>
    %swap3A_167 = vector.shape_cast %swap3A_166 : vector<1x256x3xf32> to vector<256x3xf32>
    %swap3A_168 = vector.shape_cast %add3A_157 : vector<256x3xf32> to vector<1x256x3xf32>
    tpu.vector_store %arg15[%swap3A_163, %swap3A_164, %swap3A_165], %swap3A_168 {strides = array<i32>} : memref<1x256x3xf32, #tpu.memory_space<vmem>>, vector<1x256x3xf32>,
    return
  }
  func.func @transform_0(%arg0: i32, %arg1: i32) -> (i32, i32, i32) {
    %c0_i32 = arith.constant 0 : i32
    %c0_i32_0 = arith.constant 0 : i32
    %c0_i32_1 = arith.constant 0 : i32
    return %arg0, %c0_i32, %c0_i32_0 : i32, i32, i32
  }
  func.func @transform_1(%arg0: i32, %arg1: i32) -> (i32, i32, i32) {
    %c0_i32 = arith.constant 0 : i32
    %c0_i32_0 = arith.constant 0 : i32
    %c0_i32_1 = arith.constant 0 : i32
    return %arg0, %c0_i32, %c0_i32_0 : i32, i32, i32
  }
  func.func @transform_2(%arg0: i32, %arg1: i32) -> (i32, i32, i32) {
    %c0_i32 = arith.constant 0 : i32
    %c0_i32_0 = arith.constant 0 : i32
    return %arg0, %arg1, %c0_i32 : i32, i32, i32
  }
  func.func @transform_3(%arg0: i32, %arg1: i32) -> (i32, i32) {
    %c0_i32 = arith.constant 0 : i32
    %c0_i32_0 = arith.constant 0 : i32
    %c0_i32_1 = arith.constant 0 : i32
    return %c0_i32, %c0_i32_0 : i32, i32
  }
  func.func @transform_4(%arg0: i32, %arg1: i32) -> (i32, i32) {
    %c0_i32 = arith.constant 0 : i32
    %c0_i32_0 = arith.constant 0 : i32
    %c0_i32_1 = arith.constant 0 : i32
    return %c0_i32, %c0_i32_0 : i32, i32
  }
  func.func @transform_5(%arg0: i32, %arg1: i32) -> (i32, i32) {
    %c0_i32 = arith.constant 0 : i32
    %c0_i32_0 = arith.constant 0 : i32
    %c0_i32_1 = arith.constant 0 : i32
    return %c0_i32, %c0_i32_0 : i32, i32
  }
  func.func @transform_6(%arg0: i32, %arg1: i32) -> (i32, i32) {
    %c0_i32 = arith.constant 0 : i32
    %c0_i32_0 = arith.constant 0 : i32
    %c0_i32_1 = arith.constant 0 : i32
    return %c0_i32, %c0_i32_0 : i32, i32
  }
  func.func @transform_7(%arg0: i32, %arg1: i32) -> (i32, i32) {
    %c0_i32 = arith.constant 0 : i32
    %c0_i32_0 = arith.constant 0 : i32
    %c0_i32_1 = arith.constant 0 : i32
    return %c0_i32, %c0_i32_0 : i32, i32
  }
  func.func @transform_8(%arg0: i32, %arg1: i32) -> (i32, i32) {
    %c0_i32 = arith.constant 0 : i32
    %c0_i32_0 = arith.constant 0 : i32
    %c0_i32_1 = arith.constant 0 : i32
    return %c0_i32, %c0_i32_0 : i32, i32
  }
  func.func @transform_9(%arg0: i32, %arg1: i32) -> (i32, i32) {
    %c0_i32 = arith.constant 0 : i32
    %c0_i32_0 = arith.constant 0 : i32
    %c0_i32_1 = arith.constant 0 : i32
    return %c0_i32, %c0_i32_0 : i32, i32
  }
  func.func @transform_10(%arg0: i32, %arg1: i32) -> (i32, i32) {
    %c0_i32 = arith.constant 0 : i32
    %c0_i32_0 = arith.constant 0 : i32
    %c0_i32_1 = arith.constant 0 : i32
    return %c0_i32, %c0_i32_0 : i32, i32
  }
  func.func @transform_11(%arg0: i32, %arg1: i32) -> (i32, i32) {
    %c0_i32 = arith.constant 0 : i32
    %c0_i32_0 = arith.constant 0 : i32
    %c0_i32_1 = arith.constant 0 : i32
    return %c0_i32, %c0_i32_0 : i32, i32
  }
  func.func @transform_12(%arg0: i32, %arg1: i32) -> (i32, i32, i32) {
    %c0_i32 = arith.constant 0 : i32
    %c0_i32_0 = arith.constant 0 : i32
    return %arg0, %arg1, %c0_i32 : i32, i32, i32
  }
  func.func @transform_13(%arg0: i32, %arg1: i32) -> (i32, i32, i32) {
    %c0_i32 = arith.constant 0 : i32
    %c0_i32_0 = arith.constant 0 : i32
    return %arg0, %arg1, %c0_i32 : i32, i32, i32
  }
}

module attributes {stable_mosaic.version = 14 : i64} {
  func.func @_mlp_body(%arg0: i32, %arg1: i32, %arg2: memref<1x512x3xf32, #tpu.memory_space<vmem>>, %arg3: memref<1x512x3xf32, #tpu.memory_space<vmem>>, %arg4: memref<6x128xf32, #tpu.memory_space<vmem>>, %arg5: memref<1x128xf32, #tpu.memory_space<vmem>>, %arg6: memref<128x128xf32, #tpu.memory_space<vmem>>, %arg7: memref<1x128xf32, #tpu.memory_space<vmem>>, %arg8: memref<128x128xf32, #tpu.memory_space<vmem>>, %arg9: memref<128x128xf32, #tpu.memory_space<vmem>>, %arg10: memref<1x128xf32, #tpu.memory_space<vmem>>, %arg11: memref<128x3xf32, #tpu.memory_space<vmem>>, %arg12: memref<1x3xf32, #tpu.memory_space<vmem>>, %arg13: memref<1x512x3xf32, #tpu.memory_space<vmem>>, %arg14: memref<1x512x3xf32, #tpu.memory_space<vmem>>) attributes {dimension_semantics = [#tpu.dimension_semantics<parallel>, #tpu.dimension_semantics<parallel>], iteration_bounds = array<i64: 8, 2>, scalar_prefetch = 0 : i64, scratch_operands = 0 : i64, tpu.core_type = #tpu.core_type<tc>, window_params = [{transform_indices = @transform_0, window_bounds = array<i64: 1, 512, 3>}, {transform_indices = @transform_1, window_bounds = array<i64: 1, 512, 3>}, {pipeline_mode = #tpu.pipeline_mode<synchronous>, transform_indices = @transform_2, window_bounds = array<i64: 6, 128>}, {pipeline_mode = #tpu.pipeline_mode<synchronous>, transform_indices = @transform_3, window_bounds = array<i64: 1, 128>}, {pipeline_mode = #tpu.pipeline_mode<synchronous>, transform_indices = @transform_4, window_bounds = array<i64: 128, 128>}, {pipeline_mode = #tpu.pipeline_mode<synchronous>, transform_indices = @transform_5, window_bounds = array<i64: 1, 128>}, {pipeline_mode = #tpu.pipeline_mode<synchronous>, transform_indices = @transform_6, window_bounds = array<i64: 128, 128>}, {pipeline_mode = #tpu.pipeline_mode<synchronous>, transform_indices = @transform_7, window_bounds = array<i64: 128, 128>}, {pipeline_mode = #tpu.pipeline_mode<synchronous>, transform_indices = @transform_8, window_bounds = array<i64: 1, 128>}, {pipeline_mode = #tpu.pipeline_mode<synchronous>, transform_indices = @transform_9, window_bounds = array<i64: 128, 3>}, {pipeline_mode = #tpu.pipeline_mode<synchronous>, transform_indices = @transform_10, window_bounds = array<i64: 1, 3>}, {transform_indices = @transform_11, window_bounds = array<i64: 1, 512, 3>}, {transform_indices = @transform_12, window_bounds = array<i64: 1, 512, 3>}]} {
    %get3A = arith.constant 0 : index
    %get3A_0 = arith.constant 0 : index
    %get3A_1 = arith.constant 0 : index
    %get3A_2 = vector.load %arg2[%get3A, %get3A_0, %get3A_1] : memref<1x512x3xf32, #tpu.memory_space<vmem>>, vector<1x512x3xf32>
    %get3A_3 = vector.shape_cast %get3A_2 : vector<1x512x3xf32> to vector<512x3xf32>
    %get3A_4 = arith.constant 0 : index
    %get3A_5 = arith.constant 0 : index
    %get3A_6 = arith.constant 0 : index
    %get3A_7 = vector.load %arg3[%get3A_4, %get3A_5, %get3A_6] : memref<1x512x3xf32, #tpu.memory_space<vmem>>, vector<1x512x3xf32>
    %get3A_8 = vector.shape_cast %get3A_7 : vector<1x512x3xf32> to vector<512x3xf32>
    %concatenate3A = tpu.concatenate %get3A_3, %get3A_8 in 1 : vector<512x3xf32>, vector<512x3xf32> -> vector<512x6xf32>
    %get3A_9 = arith.constant 0 : index
    %get3A_10 = arith.constant 0 : index
    %get3A_11 = vector.load %arg4[%get3A_9, %get3A_10] : memref<6x128xf32, #tpu.memory_space<vmem>>, vector<6x128xf32>
    %dot_general3A = arith.constant dense<0.000000e+00> : vector<512x128xf32>
    %dot_general3A_12 = tpu.matmul %concatenate3A, %get3A_11, %dot_general3A {dimension_numbers = #tpu.dot_dimension_numbers<[1], [0], [0], [1], [0, 0, 1, 1], [], []>, transpose_lhs_hint = false} : vector<512x6xf32>, vector<6x128xf32>, vector<512x128xf32> -> vector<512x128xf32>
    %get3A_13 = arith.constant 0 : index
    %get3A_14 = arith.constant 0 : index
    %get3A_15 = vector.load %arg5[%get3A_13, %get3A_14] : memref<1x128xf32, #tpu.memory_space<vmem>>, vector<1x128xf32>
    %add3A = vector.broadcast %get3A_15 : vector<1x128xf32> to vector<512x128xf32>
    %add3A_16 = arith.addf %dot_general3A_12, %add3A : vector<512x128xf32>
    %max3A = arith.constant 0.000000e+00 : f32
    %max3A_17 = vector.broadcast %max3A : f32 to vector<512x128xf32>
    %max3A_18 = arith.maximumf %add3A_16, %max3A_17 : vector<512x128xf32>
    %get3A_19 = arith.constant 0 : index
    %get3A_20 = arith.constant 0 : index
    %get3A_21 = vector.load %arg6[%get3A_19, %get3A_20] : memref<128x128xf32, #tpu.memory_space<vmem>>, vector<128x128xf32>
    %dot_general3A_22 = arith.constant dense<0.000000e+00> : vector<512x128xf32>
    %dot_general3A_23 = tpu.matmul %max3A_18, %get3A_21, %dot_general3A_22 {dimension_numbers = #tpu.dot_dimension_numbers<[1], [0], [0], [1], [0, 0, 1, 1], [], []>, transpose_lhs_hint = false} : vector<512x128xf32>, vector<128x128xf32>, vector<512x128xf32> -> vector<512x128xf32>
    %get3A_24 = arith.constant 0 : index
    %get3A_25 = arith.constant 0 : index
    %get3A_26 = vector.load %arg7[%get3A_24, %get3A_25] : memref<1x128xf32, #tpu.memory_space<vmem>>, vector<1x128xf32>
    %add3A_27 = vector.broadcast %get3A_26 : vector<1x128xf32> to vector<512x128xf32>
    %add3A_28 = arith.addf %dot_general3A_23, %add3A_27 : vector<512x128xf32>
    %get3A_29 = arith.constant 0 : index
    %get3A_30 = arith.constant 0 : index
    %get3A_31 = vector.load %arg8[%get3A_29, %get3A_30] : memref<128x128xf32, #tpu.memory_space<vmem>>, vector<128x128xf32>
    %dot_general3A_32 = arith.constant dense<0.000000e+00> : vector<512x128xf32>
    %dot_general3A_33 = tpu.matmul %add3A_28, %get3A_31, %dot_general3A_32 {dimension_numbers = #tpu.dot_dimension_numbers<[1], [0], [0], [1], [0, 0, 1, 1], [], []>, transpose_lhs_hint = false} : vector<512x128xf32>, vector<128x128xf32>, vector<512x128xf32> -> vector<512x128xf32>
    %get3A_34 = arith.constant 0 : index
    %get3A_35 = arith.constant 0 : index
    %get3A_36 = vector.load %arg10[%get3A_34, %get3A_35] : memref<1x128xf32, #tpu.memory_space<vmem>>, vector<1x128xf32>
    %add3A_37 = vector.broadcast %get3A_36 : vector<1x128xf32> to vector<512x128xf32>
    %add3A_38 = arith.addf %dot_general3A_33, %add3A_37 : vector<512x128xf32>
    %max3A_39 = arith.constant 0.000000e+00 : f32
    %max3A_40 = vector.broadcast %max3A_39 : f32 to vector<512x128xf32>
    %max3A_41 = arith.maximumf %add3A_38, %max3A_40 : vector<512x128xf32>
    %get3A_42 = arith.constant 0 : index
    %get3A_43 = arith.constant 0 : index
    %get3A_44 = vector.load %arg11[%get3A_42, %get3A_43] : memref<128x3xf32, #tpu.memory_space<vmem>>, vector<128x3xf32>
    %dot_general3A_45 = arith.constant dense<0.000000e+00> : vector<512x3xf32>
    %dot_general3A_46 = tpu.matmul %max3A_41, %get3A_44, %dot_general3A_45 {dimension_numbers = #tpu.dot_dimension_numbers<[1], [0], [0], [1], [0, 0, 1, 1], [], []>, transpose_lhs_hint = false} : vector<512x128xf32>, vector<128x3xf32>, vector<512x3xf32> -> vector<512x3xf32>
    %get3A_47 = arith.constant 0 : index
    %get3A_48 = arith.constant 0 : index
    %get3A_49 = vector.load %arg12[%get3A_47, %get3A_48] : memref<1x3xf32, #tpu.memory_space<vmem>>, vector<1x3xf32>
    %add3A_50 = vector.broadcast %get3A_49 : vector<1x3xf32> to vector<512x3xf32>
    %add3A_51 = arith.addf %dot_general3A_46, %add3A_50 : vector<512x3xf32>
    %add3A_52 = arith.addf %get3A_3, %add3A_51 : vector<512x3xf32>
    %get3A_53 = arith.constant 0 : index
    %get3A_54 = arith.constant 0 : index
    %get3A_55 = vector.load %arg9[%get3A_53, %get3A_54] : memref<128x128xf32, #tpu.memory_space<vmem>>, vector<128x128xf32>
    %dot_general3A_56 = arith.constant dense<0.000000e+00> : vector<512x128xf32>
    %dot_general3A_57 = tpu.matmul %add3A_28, %get3A_55, %dot_general3A_56 {dimension_numbers = #tpu.dot_dimension_numbers<[1], [0], [0], [1], [0, 0, 1, 1], [], []>, transpose_lhs_hint = false} : vector<512x128xf32>, vector<128x128xf32>, vector<512x128xf32> -> vector<512x128xf32>
    %get3A_58 = arith.constant 0 : index
    %get3A_59 = arith.constant 0 : index
    %get3A_60 = vector.load %arg10[%get3A_58, %get3A_59] : memref<1x128xf32, #tpu.memory_space<vmem>>, vector<1x128xf32>
    %add3A_61 = vector.broadcast %get3A_60 : vector<1x128xf32> to vector<512x128xf32>
    %add3A_62 = arith.addf %dot_general3A_57, %add3A_61 : vector<512x128xf32>
    %max3A_63 = arith.constant 0.000000e+00 : f32
    %max3A_64 = vector.broadcast %max3A_63 : f32 to vector<512x128xf32>
    %max3A_65 = arith.maximumf %add3A_62, %max3A_64 : vector<512x128xf32>
    %get3A_66 = arith.constant 0 : index
    %get3A_67 = arith.constant 0 : index
    %get3A_68 = vector.load %arg11[%get3A_66, %get3A_67] : memref<128x3xf32, #tpu.memory_space<vmem>>, vector<128x3xf32>
    %dot_general3A_69 = arith.constant dense<0.000000e+00> : vector<512x3xf32>
    %dot_general3A_70 = tpu.matmul %max3A_65, %get3A_68, %dot_general3A_69 {dimension_numbers = #tpu.dot_dimension_numbers<[1], [0], [0], [1], [0, 0, 1, 1], [], []>, transpose_lhs_hint = false} : vector<512x128xf32>, vector<128x3xf32>, vector<512x3xf32> -> vector<512x3xf32>
    %get3A_71 = arith.constant 0 : index
    %get3A_72 = arith.constant 0 : index
    %get3A_73 = vector.load %arg12[%get3A_71, %get3A_72] : memref<1x3xf32, #tpu.memory_space<vmem>>, vector<1x3xf32>
    %add3A_74 = vector.broadcast %get3A_73 : vector<1x3xf32> to vector<512x3xf32>
    %add3A_75 = arith.addf %dot_general3A_70, %add3A_74 : vector<512x3xf32>
    %add3A_76 = arith.addf %get3A_3, %add3A_75 : vector<512x3xf32>
    %swap3A = arith.constant 0 : index
    %swap3A_77 = arith.constant 0 : index
    %swap3A_78 = arith.constant 0 : index
    %swap3A_79 = vector.load %arg13[%swap3A, %swap3A_77, %swap3A_78] : memref<1x512x3xf32, #tpu.memory_space<vmem>>, vector<1x512x3xf32>
    %swap3A_80 = vector.shape_cast %swap3A_79 : vector<1x512x3xf32> to vector<512x3xf32>
    %swap3A_81 = vector.shape_cast %add3A_52 : vector<512x3xf32> to vector<1x512x3xf32>
    tpu.vector_store %arg13[%swap3A, %swap3A_77, %swap3A_78], %swap3A_81 {strides = array<i32>} : memref<1x512x3xf32, #tpu.memory_space<vmem>>, vector<1x512x3xf32>,
    %swap3A_82 = arith.constant 0 : index
    %swap3A_83 = arith.constant 0 : index
    %swap3A_84 = arith.constant 0 : index
    %swap3A_85 = vector.load %arg14[%swap3A_82, %swap3A_83, %swap3A_84] : memref<1x512x3xf32, #tpu.memory_space<vmem>>, vector<1x512x3xf32>
    %swap3A_86 = vector.shape_cast %swap3A_85 : vector<1x512x3xf32> to vector<512x3xf32>
    %swap3A_87 = vector.shape_cast %add3A_76 : vector<512x3xf32> to vector<1x512x3xf32>
    tpu.vector_store %arg14[%swap3A_82, %swap3A_83, %swap3A_84], %swap3A_87 {strides = array<i32>} : memref<1x512x3xf32, #tpu.memory_space<vmem>>, vector<1x512x3xf32>,
    return
  }
  func.func @transform_0(%arg0: i32, %arg1: i32) -> (i32, i32, i32) {
    %c0_i32 = arith.constant 0 : i32
    %c0_i32_0 = arith.constant 0 : i32
    return %arg0, %arg1, %c0_i32 : i32, i32, i32
  }
  func.func @transform_1(%arg0: i32, %arg1: i32) -> (i32, i32, i32) {
    %c0_i32 = arith.constant 0 : i32
    %c0_i32_0 = arith.constant 0 : i32
    return %arg0, %arg1, %c0_i32 : i32, i32, i32
  }
  func.func @transform_2(%arg0: i32, %arg1: i32) -> (i32, i32) {
    %c0_i32 = arith.constant 0 : i32
    %c0_i32_0 = arith.constant 0 : i32
    %c0_i32_1 = arith.constant 0 : i32
    return %c0_i32, %c0_i32_0 : i32, i32
  }
  func.func @transform_3(%arg0: i32, %arg1: i32) -> (i32, i32) {
    %c0_i32 = arith.constant 0 : i32
    %c0_i32_0 = arith.constant 0 : i32
    %c0_i32_1 = arith.constant 0 : i32
    return %c0_i32, %c0_i32_0 : i32, i32
  }
  func.func @transform_4(%arg0: i32, %arg1: i32) -> (i32, i32) {
    %c0_i32 = arith.constant 0 : i32
    %c0_i32_0 = arith.constant 0 : i32
    %c0_i32_1 = arith.constant 0 : i32
    return %c0_i32, %c0_i32_0 : i32, i32
  }
  func.func @transform_5(%arg0: i32, %arg1: i32) -> (i32, i32) {
    %c0_i32 = arith.constant 0 : i32
    %c0_i32_0 = arith.constant 0 : i32
    %c0_i32_1 = arith.constant 0 : i32
    return %c0_i32, %c0_i32_0 : i32, i32
  }
  func.func @transform_6(%arg0: i32, %arg1: i32) -> (i32, i32) {
    %c0_i32 = arith.constant 0 : i32
    %c0_i32_0 = arith.constant 0 : i32
    %c0_i32_1 = arith.constant 0 : i32
    return %c0_i32, %c0_i32_0 : i32, i32
  }
  func.func @transform_7(%arg0: i32, %arg1: i32) -> (i32, i32) {
    %c0_i32 = arith.constant 0 : i32
    %c0_i32_0 = arith.constant 0 : i32
    %c0_i32_1 = arith.constant 0 : i32
    return %c0_i32, %c0_i32_0 : i32, i32
  }
  func.func @transform_8(%arg0: i32, %arg1: i32) -> (i32, i32) {
    %c0_i32 = arith.constant 0 : i32
    %c0_i32_0 = arith.constant 0 : i32
    %c0_i32_1 = arith.constant 0 : i32
    return %c0_i32, %c0_i32_0 : i32, i32
  }
  func.func @transform_9(%arg0: i32, %arg1: i32) -> (i32, i32) {
    %c0_i32 = arith.constant 0 : i32
    %c0_i32_0 = arith.constant 0 : i32
    %c0_i32_1 = arith.constant 0 : i32
    return %c0_i32, %c0_i32_0 : i32, i32
  }
  func.func @transform_10(%arg0: i32, %arg1: i32) -> (i32, i32) {
    %c0_i32 = arith.constant 0 : i32
    %c0_i32_0 = arith.constant 0 : i32
    %c0_i32_1 = arith.constant 0 : i32
    return %c0_i32, %c0_i32_0 : i32, i32
  }
  func.func @transform_11(%arg0: i32, %arg1: i32) -> (i32, i32, i32) {
    %c0_i32 = arith.constant 0 : i32
    %c0_i32_0 = arith.constant 0 : i32
    return %arg0, %arg1, %c0_i32 : i32, i32, i32
  }
  func.func @transform_12(%arg0: i32, %arg1: i32) -> (i32, i32, i32) {
    %c0_i32 = arith.constant 0 : i32
    %c0_i32_0 = arith.constant 0 : i32
    return %arg0, %arg1, %c0_i32 : i32, i32, i32
  }
}

</mosaic_0001>

<sc_bundles>
// kernel: kernel.5.cloned.1.call-start
scs
__scs_entry_jumppad:
0x0: {  	(pc) =	sbr.rel $0x88, $3  }
0x1: {  	(tag) =	ssettag $0x0;
	lr =	simm.s32 $0x1  }
0x2: {  	[smem:$0x3F97] =	sst lr;
	_ =	strace $0xD0000000  }
0x3: {  	_ = 	snop  }
0x4: {  	_ = 	snop  }
0x5: {  	_ = 	snop  }
0x6: {  	_ = 	snop  }
0x7: {  	_ = 	snop  }
__scs_overlays_trampoline_lowered:
0x8: {  	[smem:$0x3FA6] =	sst s0  }
0x9: {  	[smem:$0x3FA7] =	sst s1  }
0xa: {  	[smem:$0x3FA8] =	sst s2  }
0xb: {  	[smem:$0x3FA9] =	sst s3  }
0xc: {  	[smem:$0x3FAA] =	sst s4  }
0xd: {  	[smem:$0x3FAB] =	sst s5  }
0xe: {  	[smem:$0x3FAC] =	sst s6  }
0xf: {  	[smem:$0x3FAD] =	sst s7  }
0x10: {  	[smem:$0x3FAE] =	sst s8  }
0x11: {  	[smem:$0x3FAF] =	sst s9;
	s0 =	simm.s32 @!p0 $0x0  }
0x12: {  	s1 =	sld [smem:$0x3F95];
	s0 =	simm.s32 @p0 $0x1  }
0x13: {  	[smem:$0x3FB0] =	sst s0;
	s0 =	simm.s32 @!p1 $0x0  }
0x14: {  	s2 =	sld [smem:$0x3F94];
	s0 =	simm.s32 @p1 $0x1  }
0x15: {  	[smem:$0x3FB1] =	sst s0;
	s0 =	simm.s32 @!p2 $0x0  }
0x16: {  	s3 =	sld [smem:$0x3FDB];
	s0 =	simm.s32 @p2 $0x1  }
0x17: {  	s4 =	simm.s32 $0x1BF5;
	[smem:$0x3FB3] =	sst s0  }
0x18: {  	s0 =	sld [smem:$0x3F96];
	_ =	swait.ge [sflag:s4], $0x0  }
0x19: {  	s7 =	sld [smem:$0x3F97]  }
0x1a: {  	s8 =	sadd.s32 $0xFFFFE003, lr  }
0x1b: {  	s9 =	sadd.s32 $0xFFFFFEF7, lr;
	s5 =	simm.s32 $0xFFFFFFFF;
	p2 =	slt.u32 s8, $0xFFFFF086  }
0x1c: {  	p1 =	slt.u32 s9, $0xF7A;
	s5 =	simm.s32 @!p2 $0x0  }
0x1d: {  	s5 =	simm.s32 @p1 $0x1;
	p0 =	seq.s32 s7, s2  }
0x1e: {  	s7 =	smul.u32 @!p0 $0xF7A, s2;
	p2 =	seq.s32 @!p0 s5, $0x0  }
0x1f: {  	s9 =	smul.u32 $0xF7A, s1;
	s8 =	simm.s32 @!p0 $0x1BF5;
	p2 =	por !p2, p0  }
0x20: {  	[sflag:s8] =	ssyncset.s32 @!p0 $0xFFFFF086;
	s6 =	sadd.s32 @!p0 s3, s7;
	s7 =	simm.s32 @!p0 $0x108  }
0x21: {  	s3 =	sadd.s32 s3, s9;
	s6 =	sadd.s32 @!p0 $0x88, s6;
	s7 =	simm.s32 @p2 $0x1082  }
0x22: {  	[simem:s7], [sflag:s8] =	dma.local @!p0 [hbm:s6], $0xF7A  }
0x23: {  	s9 =	sor.u32 $0xD0000000, s2;
	s6 =	simm.s32 $0x108;
	_ =	swait.ge @!p0 [sflag:s8], $0x0  }
0x24: {  	s3 =	sadd.s32 $0x88, s3;
	s6 =	simm.s32 @!p1 $0x1082;
	[sflag:s4] =	ssyncset.s32 $0xFFFFF086  }
0x25: {  	[simem:s6], [sflag:s4] =	dma.local [hbm:s3], $0xF7A  }
0x26: {  	[smem:$0x3F97] =	sst s1;
	(tag) =	ssettag s2;
	_ =	strace s9  }
0x27: {  	s1 =	sld [smem:$0x3FA7]  }
0x28: {  	s2 =	sld [smem:$0x3FA8]  }
0x29: {  	s4 =	sld [smem:$0x3FAA]  }
0x2a: {  	p0 =	seq.s32 s5, $0x0;
	s5 =	sld [smem:$0x3FAB]  }
0x2b: {  	s6 =	sld [smem:$0x3FAC]  }
0x2c: {  	s7 =	sld [smem:$0x3FAD]  }
0x2d: {  	s3 =	simm.s32 $0x108;
	s8 =	sld [smem:$0x3FAE]  }
0x2e: {  	s3 =	simm.s32 @!p0 $0x1082;
	s9 =	sld [smem:$0x3FAF]  }
0x2f: {  	lr =	sadd.s32 s0, s3;
	s0 =	sld [smem:$0x3FA6]  }
0x30: {  	s3 =	sld [smem:$0x3FA9]  }
0x31: {  	[smem:$0x3FB2] =	sst s10  }
0x32: {  	s10 =	sld [smem:$0x3FB0];
	_ =	sdelay $0x3  }
0x33: {  	p0 =	seq.s32 s10, $0x1;
	s10 =	sld [smem:$0x3FB2];
	_ =	sdelay $0x3  }
0x34: {  	[smem:$0x3FB2] =	sst s10  }
0x35: {  	s10 =	sld [smem:$0x3FB1];
	_ =	sdelay $0x3  }
0x36: {  	p1 =	seq.s32 s10, $0x1;
	s10 =	sld [smem:$0x3FB2];
	_ =	sdelay $0x3  }
0x37: {  	[smem:$0x3FB2] =	sst s10  }
0x38: {  	s10 =	sld [smem:$0x3FB3]  }
0x39: {  	_ = 	snop;
	(pc) =	sbr.ind lr, $3  }
0x3a: {  	_ = 	snop  }
0x3b: {  	_ = 	snop  }
0x3c: {  	p2 =	seq.s32 s10, $0x1;
	s10 =	sld [smem:$0x3FB2]  }
0x3d: {  	_ =	shalt  }
0x3e: {  	_ =	shalt  }
0x3f: {  	_ =	shalt  }
0x40: {  	_ =	shalt  }
0x41: {  	_ =	shalt  }
0x42: {  	_ =	shalt  }
0x43: {  	_ =	shalt  }
0x44: {  	_ =	shalt  }
0x45: {  	_ =	shalt  }
0x46: {  	_ =	shalt  }
0x47: {  	_ =	shalt  }
0x48: {  	_ =	shalt  }
0x49: {  	_ =	shalt  }
0x4a: {  	_ =	shalt  }
0x4b: {  	_ =	shalt  }
0x4c: {  	_ =	shalt  }
0x4d: {  	_ =	shalt  }
0x4e: {  	_ =	shalt  }
0x4f: {  	_ =	shalt  }
0x50: {  	_ =	shalt  }
0x51: {  	_ =	shalt  }
0x52: {  	_ =	shalt  }
0x53: {  	_ =	shalt  }
0x54: {  	_ =	shalt  }
0x55: {  	_ =	shalt  }
0x56: {  	_ =	shalt  }
0x57: {  	_ =	shalt  }
0x58: {  	_ =	shalt  }
0x59: {  	_ =	shalt  }
0x5a: {  	_ =	shalt  }
0x5b: {  	_ =	shalt  }
0x5c: {  	_ =	shalt  }
0x5d: {  	_ =	shalt  }
0x5e: {  	_ =	shalt  }
0x5f: {  	_ =	shalt  }
0x60: {  	_ =	shalt  }
0x61: {  	_ =	shalt  }
0x62: {  	_ =	shalt  }
0x63: {  	_ =	shalt  }
0x64: {  	_ =	shalt  }
0x65: {  	_ =	shalt  }
0x66: {  	_ =	shalt  }
0x67: {  	_ =	shalt  }
0x68: {  	_ =	shalt  }
0x69: {  	_ =	shalt  }
0x6a: {  	_ =	shalt  }
0x6b: {  	_ =	shalt  }
0x6c: {  	_ =	shalt  }
0x6d: {  	_ =	shalt  }
0x6e: {  	_ =	shalt  }
0x6f: {  	_ =	shalt  }
0x70: {  	_ =	shalt  }
0x71: {  	_ =	shalt  }
0x72: {  	_ =	shalt  }
0x73: {  	_ =	shalt  }
0x74: {  	_ =	shalt  }
0x75: {  	_ =	shalt  }
0x76: {  	_ =	shalt  }
0x77: {  	_ =	shalt  }
0x78: {  	_ =	shalt  }
0x79: {  	_ =	shalt  }
0x7a: {  	_ =	shalt  }
0x7b: {  	_ =	shalt  }
0x7c: {  	_ =	shalt  }
0x7d: {  	_ =	shalt  }
0x7e: {  	_ =	shalt  }
0x7f: {  	_ =	shalt  }
0x80: {  	_ =	shalt  }
0x81: {  	_ =	shalt  }
0x82: {  	_ =	shalt  }
0x83: {  	_ =	shalt  }
0x84: {  	_ =	shalt  }
0x85: {  	_ =	shalt  }
0x86: {  	_ =	shalt  }
0x87: {  	_ =	shalt  }
.Lfunc_end0:
.L_simem_size_0:
called_computation_lowered:
.L_overlay_start_0:
0x88: {  	s2 =	sld [smem:$0x3FD9]  }
0x89: {  	s3 =	sld [smem:$0x3FFE];
	_ =	sdelay $0x1  }
0x8a: {  	s1 =	srdreg.scid  }
0x8b: {  	s0 =	sand.u32 $0x1, s1  }
0x8c: {  	s17 =	sshll.u32 s0, $0xA;
	s2 =	sadd.s32 s3, s2  }
0x8d: {  	s2 =	sadd.s32 s2, s17  }
0x8e: {  	[smem:$0x3FBE] =	sst s2  }
0x8f: {  	_ = 	snop  }
0x90: {  	s2 =	sld [smem:$0x3FD0];
	(tm) =	ssettm $0x1  }
0x91: {  	s18 =	sld [smem:$0x3FFB];
	_ =	sdelay $0x3  }
0x92: {  	_ =	strace s18  }
0x93: {  	s3 =	sld [smem:$0x3FFC];
	_ =	sdelay $0x3  }
0x94: {  	_ =	strace s3  }
0x95: {  	s3 =	sld [smem:$0x3FFD];
	_ =	sdelay $0x3  }
0x96: {  	_ =	strace s3  }
0x97: {  	_ =	strace $0x8FFFFFFF  }
0x98: {  	s19 =	sld [smem:$0x3FDB];
	_ =	sdelay $0x1  }
0x99: {  	s4 =	simm.s32 $_scs_section_size  }
0x9a: {  	s5 =	simm.s32 $_size__tile_overlayer_lowered;
	s6 =	simm.s32 $_tile_overlayer_lowered  }
0x9b: {  	s22 =	simm.s32 $0x1BFF;
	s21 =	sshll.u32 s6, $0x1;
	s3 =	sadd.s32 s4, s19  }
0x9c: {  	s7 =	simm.s32 $0x0;
	s20 =	sshll.u32 s5, $0x1;
	s5 =	sadd.s32 s21, s3  }
0x9d: {  	[timem:s7], [sflag:s22] =	dma.local [hbm:s5], s20  }
0x9e: {  	_ =	swait.ge [sflag:s22], s20  }
0x9f: {  	s4 =	ssub.s32 $0x0, s20;
	[sflag:s22] =	ssyncset.done $0x0  }
0xa0: {  	[sflag:s22] =	ssyncadd.s32 s4;
	_ =	sdelay $0x1  }
0xa1: {  	s23 =	simm.s32 $0x1B8B  }
0xa2: {  	_ =	swait.ge [sflag:s23], $0x1  }
0xa3: {  	[sflag:s23] =	ssyncset.done $0x0  }
0xa4: {  	s25 =	simm.s32 $0x1B8E;
	s24 =	sld [smem:$0x3FFE];
	[sflag:s23] =	ssyncadd.s32 $0xFFFFFFFF  }
0xa5: {  	s26 =	simm.s32 $execute0_lowered;
	[smem:$0x3FD2] =	sst s25  }
0xa6: {  	s5 =	sshll.u32 s26, $0x1;
	_ =	strace $0x80000046;
	[dreg:$0x1] =	wrdreg $0xFFFFFFFF  }
0xa7: {  	s28 =	simm.s32 $_size_execute0_lowered;
	s3 =	sadd.s32 s3, s5;
	[dreg:$0x0] =	wrdreg $0x0  }
0xa8: {  	s5 =	sshll.u32 s28, $0x1;
	[dreg:$0x2] =	wrdreg s3  }
0xa9: {  	[dreg:$0x3] =	wrdreg s5  }
0xaa: {  	[dreg:$0x4] =	wrdreg $0xC0  }
0xab: {  	_ =	task [dreg:s7], $0x5FFFF  }
0xac: {  	[dreg:$0x1] =	wrdreg $0xFFFFFFFF  }
0xad: {  	[dreg:$0x0] =	wrdreg $0x60  }
0xae: {  	[dreg:$0x2] =	wrdreg s2  }
0xaf: {  	[dreg:$0x3] =	wrdreg s24  }
0xb0: {  	[dreg:$0x4] =	wrdreg $0x9  }
0xb1: {  	_ =	task.clear_ibuf [dreg:s7], $0x5FFFF;
	_ =	strace $0x90000046  }
0xb2: {  	s29 =	simm.s32 $0x9;
	_ =	strace $0x80000048  }
0xb3: {  	_ =	swait.ge [sflag:s29], $0x1  }
0xb4: {  	[sflag:s29] =	ssyncadd.s32 $0xFFFFFFFF  }
0xb5: {  	_ =	strace $0x90000048  }
0xb6: {  	_ =	sfence  }
0xb7: {  	s30 =	sld [smem:$0x0];
	_ =	sdelay $0x2  }
0xb8: {  	s31 =	sshll.u32 s1, $0xD;
	s1 =	sshrl.u32 s1, $0x2  }
0xb9: {  	s3 =	sand.u32 $0x4000, s31;
	s1 =	sadd.s32 s1, s30  }
0xba: {  	s0 =	sor.u32 s3, s0;
	s1 =	sshll.u32 s1, $0x11  }
0xbb: {  	s0 =	sor.u32 s1, s0  }
0xbc: {  	s0 =	sadd.s32 $0x8F2B, s0  }
0xbd: {  	[sflag:s0] =	ssyncadd.remote.s32 $0x1  }
0xbe: {  	_ =	sfence.sel $0xFFFF  }
0xbf: {  	[dreg:$0x0] =	wrdreg $0xFFFFFFFF;
	(pc) =	sbr.abs _section_cstart, $3  }
0xc0: {  	[dreg:$0x1] =	wrdreg $0xFFFFFFFF  }
0xc1: {  	_ =	task.clear_ibuf [dreg:s7], $0x2FFFF;
	_ =	strace $0x9FFFFFFF  }
0xc2: {  	(tm) =	ssettm $0x7FFFFFFF  }
0xc3: {  	_ =	shalt  }
tec
execute0_lowered:
.L_overlay_start_1:
0x0: {  	(tag) =	ssettag $0x1  }
0x1: {  	s7 =	rddreg [dreg:$0x0]  }
0x2: {  	s4 =	rddreg [dreg:$0x1]  }
0x3: {  	s0 =	rddreg [dreg:$0x2];
	s2 =	simm.s32 $0x0;
	s3 =	srdreg.scid  }
0x4: {  	s1 =	stileid.u32;
	s11 =	simm.s32 $0x2000;
	s12 =	simm.s32 $0x4000  }
0x5: {  	s13 =	simm.s32 $0x6000;
	s14 =	simm.s32 $0x6600;
	s15 =	simm.s32 $0x0  }
0x6: {  	[smem:$0x7FF] =	sst s2;
	s5 =	sand.u32 $0x1, s3;
	s8 =	sshrl.u32 s1, $0x1  }
0x7: {  	s3 =	sadd.s32 $0x2000, s4;
	s4 =	sadd.s32 $0xE000, s4;
	s30 =	sshll.u32 s1, $0x9  }
0x8: {  	_ =	strace $0x80000047;
	s6 =	ssub.s32 $0x2, s5;
	s10 =	smul.u32 $0x6000, s8  }
0x9: {  	v0 =	vlaneseq.u32;
	s29 =	smul.u32 $0xC00, s8;
	s5 =	sshll.u32 s5, $0x8;
	s9 =	sshrl.u32 s6, $0x1  }
0xa: {  	vm0 =	vmmov $0xff;
	v0 =	vmul.u32 $0xFFFFFFFF, v0;
	s5 =	sor.u32 s5, s30;
	s9 =	ssub.s32 s6, s9;
	s10 =	sshrl.u32 s10, $0x3  }
0xb: {  	v1 =	vimm.f32 $0.0e+00;
	vm1 =	vcmask $0xF0C;
	vm2 =	vcmask $0x3F0C;
	s6 =	sadd.s32 s7, s29;
	s31 =	sadd.s32 s7, s10;
	s9 =	smax.u32 s9, $0x1  }
0xc: {  	vm3 =	vcmask $0x3F08;
	vm4 =	vcmask $0x3F04;
	v0 =	vadd.s32 $0xF, v0;
	s10 =	simm.s32 $0x1;
	s7 =	sadd.s32 $0x400, s31;
	s8 =	sadd.s32 $0x800, s31  }
.LBB2_1:
0xd: {  	[tilespmem:s2], [sflag:$0x1] =	stream.linear.gather [hbm4b:s6+s2], $0x2000, $0x38;
	[tilespmem:$0x6800] =	vst v63  }
0xe: {  	_ =	swait.ge [sflag:s10], $0x2000  }
0xf: {  	[sflag:s10] =	ssyncset.done $0x0  }
0x10: {  	[sflag:s10] =	ssyncadd.s32 $0xFFFFE000  }
0x11: {  	[tilespmem:s11], [sflag:$0x1] =	stream.linear.gather [hbm4b:s7+s2], $0x2000, $0x38;
	[tilespmem:$0x6800] =	vst v63  }
0x12: {  	_ =	swait.ge [sflag:s10], $0x2000  }
0x13: {  	[sflag:s10] =	ssyncset.done $0x0  }
0x14: {  	[sflag:s10] =	ssyncadd.s32 $0xFFFFE000  }
0x15: {  	[tilespmem:s12], [sflag:$0x1] =	stream.linear.gather [hbm4b:s8+s2], $0x2000, $0x38;
	[tilespmem:$0x6800] =	vst v63  }
0x16: {  	_ =	swait.ge [sflag:s10], $0x2000  }
0x17: {  	[sflag:s10] =	ssyncset.done $0x0  }
0x18: {  	s16 =	simm.s32 $0x0;
	[sflag:s10] =	ssyncadd.s32 $0xFFFFE000  }
.LBB2_2:
0x19: {  	s17 =	sshll.u32 s16, $0x5  }
0x1a: {  	s17 =	sadd.s32 s5, s17  }
0x1b: {  	s18 =	smul.u32 $0x6, s17;
	_ =	sdelay $0x1  }
0x1c: {  	s19 =	sadd.s32 s3, s18;
	s18 =	simm.s32 $0x0  }
0x1d: {  	[tilespmem:s13], [sflag:$0x1] =	stream.linear.gather [hbm4b:s19+s18], $0x600, $0x38;
	[tilespmem:$0x6800] =	vst v63  }
0x1e: {  	_ =	swait.ge [sflag:s10], $0x600  }
0x1f: {  	[sflag:s10] =	ssyncset.done $0x0  }
0x20: {  	[sflag:s10] =	ssyncadd.s32 $0xFFFFFA00  }
.LBB2_3:
0x21: {  	s28 =	simm.s32 $0x2020  }
0x22: {  	s20 =	simm.s32 $0x4020;
	v5 =	vld [tilespmem:s28+$0xFFFFFFE0]  }
0x23: {  	v6 =	vld [tilespmem:s20+$0x10]  }
0x24: {  	v7 =	vld [tilespmem:s28+$0x10]  }
0x25: {  	v8 =	vld [tilespmem:s20+$0xFFFFFFF0]  }
0x26: {  	s21 =	simm.s32 $0x20;
	v9 =	vld [tilespmem:s28+$0x0]  }
0x27: {  	v10 =	vld [tilespmem:s21+$0x0]  }
0x28: {  	s19 =	smul.u32 $0xC0, s18;
	v11 =	vld [tilespmem:s21+$0x10]  }
0x29: {  	v12 =	vld [tilespmem:s20+$0xFFFFFFE0]  }
0x2a: {  	v13 =	vld [tilespmem:s21+$0xFFFFFFE0];
	s19 =	sshra.s32 s19, $0x2  }
0x2b: {  	v3 =	vld [tilespmem:s19+$0x6010]  }
0x2c: {  	v4 =	vld [tilespmem:s19+$0x6020]  }
0x2d: {  	v14 =	vld [tilespmem:s21+$0xFFFFFFF0]  }
0x2e: {  	v2 =	vld [tilespmem:s19+$0x6000]  }
0x2f: {  	v15 =	vld [tilespmem:s28+$0xFFFFFFF0]  }
0x30: {  	s29 =	simm.s32 $0x2060;
	v16 =	vld [tilespmem:s20+$0x0];
	v5 =	vsub.f32 v3, v5  }
0x31: {  	s30 =	simm.s32 $0x4060;
	v17 =	vld [tilespmem:s29+$0x10];
	v7 =	vsub.f32 v3, v7;
	v8 =	vsub.f32 v4, v8  }
0x32: {  	s31 =	simm.s32 $0x60;
	v19 =	vld [tilespmem:s30+$0xFFFFFFF0];
	v9 =	vsub.f32 v3, v9;
	v6 =	vsub.f32 v4, v6  }
0x33: {  	v29 =	vld [tilespmem:s31+$0xFFFFFFE0];
	v10 =	vsub.f32 v2, v10;
	v13 =	vsub.f32 v2, v13  }
0x34: {  	v30 =	vld [tilespmem:s31+$0xFFFFFFF0];
	v11 =	vsub.f32 v2, v11;
	v12 =	vsub.f32 v4, v12  }
0x35: {  	v31 =	vld [tilespmem:s29+$0xFFFFFFF0];
	v14 =	vsub.f32 v2, v14;
	v15 =	vsub.f32 v3, v15  }
0x36: {  	v32 =	vld [tilespmem:s30+$0x0];
	v16 =	vsub.f32 v4, v16;
	v17 =	vsub.f32 v3, v17  }
0x37: {  	v19 =	vsub.f32 v4, v19;
	v5 =	vmul.f32 v5, v5;
	v7 =	vmul.f32 v7, v7  }
0x38: {  	v29 =	vsub.f32 v2, v29;
	v8 =	vmul.f32 v8, v8;
	v9 =	vmul.f32 v9, v9  }
0x39: {  	v59 =	vsub.f32 v2, v30;
	v10 =	vmul.f32 v10, v10;
	v13 =	vmul.f32 v13, v13  }
0x3a: {  	v60 =	vsub.f32 v3, v31;
	v11 =	vmul.f32 v11, v11;
	v12 =	vmul.f32 v12, v12  }
0x3b: {  	v61 =	vsub.f32 v4, v32;
	v14 =	vmul.f32 v14, v14;
	v6 =	vmul.f32 v6, v6  }
0x3c: {  	v17 =	vmul.f32 v17, v17;
	v5 =	vadd.f32 v5, v13;
	v13 =	vmul.f32 v15, v15  }
0x3d: {  	v9 =	vadd.f32 v9, v10;
	v7 =	vadd.f32 v7, v11;
	v10 =	vmul.f32 v16, v16  }
0x3e: {  	v19 =	vmul.f32 v19, v19;
	v5 =	vadd.f32 v12, v5;
	v11 =	vadd.f32 v13, v14  }
0x3f: {  	v62 =	vmul.f32 v61, v61;
	v12 =	vimm.f32 $+Inf;
	v9 =	vadd.f32 v10, v9;
	v10 =	vld [tilespmem:s29+$0xFFFFFFE0]  }
0x40: {  	v6 =	vadd.f32 v6, v7;
	v7 =	vmax.f32 v12, v5;
	v8 =	vadd.f32 v8, v11  }
0x41: {  	v5 =	vmin.f32 v12, v5;
	v11 =	vmin.f32 v12, v7;
	v7 =	vmax.f32 v12, v7  }
0x42: {  	v14 =	vmin.f32 v12, v7;
	v13 =	vmin.f32 v5, v8;
	v5 =	vmax.f32 v5, v8  }
0x43: {  	v7 =	vmax.f32 v12, v7;
	v15 =	vmin.f32 v13, v9;
	v16 =	vmax.f32 v11, v5  }
0x44: {  	v5 =	vmin.f32 v11, v5;
	v20 =	vmax.f32 v13, v9;
	v9 =	vsub.f32 v3, v10;
	v10 =	vld [tilespmem:s29+$0x0]  }
0x45: {  	v18 =	vmin.f32 v12, v7;
	v7 =	vmax.f32 v12, v7;
	v13 =	vld [tilespmem:s31+$0x0];
	v11 =	vmax.f32 v14, v16  }
0x46: {  	v21 =	vmin.f32 v15, v6;
	v22 =	vmin.f32 v12, v7;
	v24 =	vmul.f32 v9, v9;
	v9 =	vld [tilespmem:s31+$0x10]  }
0x47: {  	v7 =	vmax.f32 v12, v7;
	v6 =	vmax.f32 v15, v6;
	v23 =	vmax.f32 v18, v11  }
0x48: {  	v8 =	vld [tilespmem:s30+$0x10];
	v25 =	vmax.f32 v12, v7;
	v7 =	vmin.f32 v12, v7;
	v18 =	vmin.f32 v18, v11  }
0x49: {  	v26 =	vld [tilespmem:s30+$0xFFFFFFE0];
	v27 =	vmin.f32 v12, v25;
	v28 =	vmax.f32 v22, v23;
	v25 =	vmax.f32 v12, v25  }
0x4a: {  	v22 =	vmin.f32 v22, v23;
	v10 =	vsub.f32 v3, v10;
	v13 =	vsub.f32 v2, v13  }
0x4b: {  	v11 =	vmax.f32 v7, v28;
	v12 =	vmin.f32 v12, v25;
	v9 =	vsub.f32 v2, v9  }
0x4c: {  	v58 =	vmax.f32 v27, v11;
	v10 =	vmul.f32 v10, v10;
	v13 =	vmul.f32 v13, v13  }
0x4d: {  	v8 =	vsub.f32 v4, v8;
	v33 =	vmul.f32 v9, v9;
	v9 =	vmin.f32 v12, v58  }
0x4e: {  	v12 =	vsub.f32 v4, v26;
	v10 =	vadd.f32 v10, v13;
	v13 =	vmul.f32 v29, v29  }
0x4f: {  	v23 =	vmin.f32 v5, v20;
	v20 =	vmax.f32 v5, v20;
	v8 =	vmul.f32 v8, v8  }
0x50: {  	v26 =	vmul.f32 v60, v60;
	v12 =	vmul.f32 v12, v12;
	v24 =	vadd.f32 v24, v13  }
0x51: {  	v17 =	vadd.f32 v17, v33;
	v13 =	vmin.f32 v7, v28;
	v7 =	vmul.f32 v59, v59  }
0x52: {  	v11 =	vmin.f32 v27, v11;
	v24 =	vadd.f32 v12, v24;
	v12 =	vadd.f32 v62, v10  }
0x53: {  	v7 =	vadd.f32 v26, v7;
	v5 =	vadd.f32 v8, v17;
	v8 =	vmin.f32 v14, v16  }
0x54: {  	v63 =	vmin.f32 v8, v20;
	v8 =	vmax.f32 v8, v20;
	v10 =	vmin.f32 v21, v24  }
0x55: {  	v14 =	vmax.f32 v21, v24;
	v21 =	vmax.f32 v23, v6;
	v6 =	vmin.f32 v23, v6  }
0x56: {  	v16 =	vmax.f32 v18, v8;
	v7 =	vadd.f32 v19, v7;
	v18 =	vmin.f32 v18, v8  }
0x57: {  	v23 =	vmin.f32 v6, v14;
	v15 =	vmin.f32 v63, v21;
	v14 =	vmax.f32 v6, v14  }
0x58: {  	v17 =	vmax.f32 v22, v16;
	v16 =	vmin.f32 v22, v16;
	v20 =	vmax.f32 v63, v21  }
0x59: {  	v6 =	vmin.f32 v15, v14;
	v14 =	vmax.f32 v15, v14;
	v15 =	vmin.f32 v10, v7  }
0x5a: {  	s22 =	simm.s32 $0xA0;
	v8 =	vmax.f32 v10, v7;
	v19 =	vmax.f32 v18, v20;
	v21 =	vmax.f32 v13, v17  }
0x5b: {  	s20 =	simm.s32 $0x40A0;
	s21 =	simm.s32 $0x20A0;
	s19 =	simm.s32 $0x4;
	v7 =	vmin.f32 v15, v12;
	v10 =	vmin.f32 v23, v8;
	v8 =	vmax.f32 v23, v8  }
.LBB2_4:
0x5c: {  	v22 =	vld [tilespmem:s21+$0xFFFFFFE0];
	s19 =	sadd.s32 $0x4, s19;
	v23 =	vmax.f32 v6, v8;
	v24 =	vmax.f32 v11, v21;
	v18 =	vmin.f32 v18, v20  }
0x5d: {  	v11 =	vmin.f32 v11, v21;
	v21 =	vmin.f32 v16, v19;
	v20 =	vld [tilespmem:s20+$0x10];
	p0 =	slt.u32 s19, $0x1FC;
	v25 =	vmin.f32 v18, v14  }
0x5e: {  	v13 =	vmin.f32 v13, v17;
	v16 =	vmax.f32 v16, v19;
	v9 =	vmin.f32 v9, v24;
	v26 =	vld [tilespmem:s20+$0x0]  }
0x5f: {  	v12 =	vmax.f32 v15, v12;
	v15 =	vmin.f32 v13, v16;
	v13 =	vmax.f32 v13, v16;
	v17 =	vld [tilespmem:s21+$0x10]  }
0x60: {  	v19 =	vmin.f32 v7, v5;
	v24 =	vmin.f32 v11, v13;
	v11 =	vmax.f32 v11, v13;
	v16 =	vld [tilespmem:s20+$0xFFFFFFF0]  }
0x61: {  	v14 =	vmax.f32 v18, v14;
	v9 =	vmin.f32 v9, v11;
	v13 =	vsub.f32 v3, v22;
	v22 =	vld [tilespmem:s21+$0x0]  }
0x62: {  	v18 =	vmin.f32 v21, v14;
	v14 =	vmax.f32 v21, v14;
	v21 =	vmax.f32 v25, v23;
	v11 =	vld [tilespmem:s22+$0x0]  }
0x63: {  	v28 =	vmax.f32 v15, v14;
	v20 =	vsub.f32 v4, v20;
	v13 =	vmul.f32 v13, v13;
	v27 =	vld [tilespmem:s22+$0x10]  }
0x64: {  	v31 =	vmax.f32 v18, v21;
	v30 =	vmin.f32 v24, v28;
	v29 =	vld [tilespmem:s20+$0xFFFFFFE0];
	v17 =	vsub.f32 v3, v17  }
0x65: {  	v14 =	vmin.f32 v15, v14;
	v15 =	vmax.f32 v24, v28;
	v32 =	vld [tilespmem:s22+$0xFFFFFFE0]  }
0x66: {  	v16 =	vsub.f32 v4, v16;
	v24 =	vld [tilespmem:s22+$0xFFFFFFF0];
	v22 =	vsub.f32 v3, v22;
	v17 =	vmul.f32 v17, v17  }
0x67: {  	v23 =	vmin.f32 v25, v23;
	v25 =	vmax.f32 v14, v31;
	v28 =	vld [tilespmem:s21+$0xFFFFFFF0];
	v11 =	vsub.f32 v2, v11  }
0x68: {  	v16 =	vmul.f32 v16, v16;
	v22 =	vmul.f32 v22, v22;
	v27 =	vsub.f32 v2, v27  }
0x69: {  	v9 =	vmin.f32 v9, v15;
	v15 =	vmax.f32 v30, v25;
	v11 =	vmul.f32 v11, v11  }
0x6a: {  	v9 =	vmin.f32 v9, v15;
	v32 =	vsub.f32 v2, v32;
	v27 =	vmul.f32 v27, v27  }
0x6b: {  	v15 =	vsub.f32 v4, v29;
	v22 =	vadd.f32 v22, v11;
	v11 =	vmin.f32 v30, v25  }
0x6c: {  	v24 =	vsub.f32 v2, v24;
	v25 =	vmul.f32 v32, v32;
	v28 =	vsub.f32 v3, v28  }
0x6d: {  	v26 =	vsub.f32 v4, v26;
	v15 =	vmul.f32 v15, v15;
	v17 =	vadd.f32 v17, v27  }
0x6e: {  	v25 =	vadd.f32 v13, v25;
	v27 =	vmul.f32 v28, v28;
	v13 =	vmin.f32 v14, v31  }
0x6f: {  	v21 =	vmin.f32 v18, v21;
	v14 =	vmul.f32 v24, v24;
	v24 =	vmul.f32 v26, v26  }
0x70: {  	v18 =	vmul.f32 v20, v20;
	v20 =	vmin.f32 v10, v12;
	v10 =	vmax.f32 v10, v12  }
0x71: {  	v7 =	vmax.f32 v7, v5;
	v15 =	vadd.f32 v15, v25;
	v12 =	vadd.f32 v24, v22  }
0x72: {  	v6 =	vmin.f32 v6, v8;
	v5 =	vadd.f32 v18, v17;
	v14 =	vadd.f32 v27, v14  }
0x73: {  	v8 =	vmin.f32 v19, v15;
	v15 =	vmax.f32 v19, v15;
	v19 =	vmax.f32 v20, v7  }
0x74: {  	v22 =	vmin.f32 v6, v10;
	v6 =	vmax.f32 v6, v10;
	v7 =	vmin.f32 v20, v7  }
0x75: {  	v10 =	vmax.f32 v23, v6;
	v24 =	vmin.f32 v7, v15;
	v17 =	vmin.f32 v22, v19  }
.Ltmp0:
0x76: {  	v18 =	vmin.f32 v23, v6;
	v25 =	vadd.f32 v16, v14;
	v7 =	vmax.f32 v7, v15;
	(pc) =	sbr.rel @p0 .LBB2_4-.Ltmp0, $4  }
0x77: {  	v6 =	vmin.f32 v17, v7;
	v14 =	vmax.f32 v17, v7;
	v17 =	vmax.f32 v21, v10  }
0x78: {  	v16 =	vmin.f32 v21, v10;
	v20 =	vmax.f32 v22, v19;
	v15 =	vmin.f32 v8, v25  }
0x79: {  	v8 =	vmax.f32 v8, v25;
	v19 =	vmax.f32 v18, v20;
	v7 =	vmin.f32 v15, v12  }
0x7a: {  	s20 =	sadd.s32 $0x40, s20;
	s22 =	sadd.s32 $0x40, s22;
	s21 =	sadd.s32 $0x40, s21;
	v10 =	vmin.f32 v24, v8;
	v8 =	vmax.f32 v24, v8;
	v21 =	vmax.f32 v13, v17  }
0x7b: {  	v22 =	vmax.f32 v6, v8;
	v23 =	vmax.f32 v11, v21;
	v18 =	vmin.f32 v18, v20  }
0x7c: {  	v13 =	vmin.f32 v13, v17;
	v17 =	vmax.f32 v16, v19;
	v11 =	vmin.f32 v11, v21  }
0x7d: {  	v16 =	vmin.f32 v16, v19;
	v12 =	vmax.f32 v15, v12;
	v15 =	vmin.f32 v7, v5  }
0x7e: {  	v5 =	vmax.f32 v7, v5;
	v6 =	vmin.f32 v6, v8;
	v20 =	vmin.f32 v18, v14  }
0x7f: {  	v19 =	vmax.f32 v13, v17;
	v9 =	vmin.f32 v9, v23;
	v13 =	vmin.f32 v13, v17  }
0x80: {  	v14 =	vmax.f32 v18, v14;
	(xrf1) =	vsort.ascd.msk.f32 $0xffff, v15, v15;
	v17 =	vmax.f32 v11, v19  }
0x81: {  	v11 =	vmin.f32 v11, v19;
	v9 =	vmin.f32 v9, v17;
	v17 =	vmin.f32 v16, v14  }
0x82: {  	v14 =	vmax.f32 v16, v14;
	v16 =	vmax.f32 v20, v22;
	v20 =	vmin.f32 v20, v22  }
0x83: {  	v18 =	vmax.f32 v13, v14;
	v19 =	vmax.f32 v17, v16;
	v13 =	vmin.f32 v13, v14  }
0x84: {  	v14 =	vmin.f32 v11, v18;
	v11 =	vmax.f32 v11, v18;
	v18 =	vmax.f32 v13, v19  }
0x85: {  	v7 =	vmin.f32 v17, v16;
	v9 =	vmin.f32 v9, v11;
	v11 =	vmax.f32 v14, v18  }
0x86: {  	v9 =	vmin.f32 v9, v11;
	v11 =	vmin.f32 v14, v18;
	v14 =	vmin.f32 v10, v12  }
0x87: {  	v13 =	vmin.f32 v13, v19;
	v10 =	vmax.f32 v10, v12;
	v8 =	vmax.f32 v14, v5  }
0x88: {  	v12 =	vmax.f32 v6, v10;
	v6 =	vmin.f32 v6, v10;
	v5 =	vmin.f32 v14, v5  }
0x89: {  	v10 =	vmax.f32 v20, v12;
	v14 =	vmin.f32 v6, v8;
	v12 =	vmin.f32 v20, v12  }
0x8a: {  	v6 =	vmax.f32 v6, v8;
	(xrf1) =	vsort.ascd.msk.f32 $0xffff, v5, v5;
	v16 =	vmax.f32 v7, v10  }
0x8b: {  	v7 =	vmin.f32 v7, v10;
	v10 =	vmax.f32 v12, v6;
	v6 =	vmin.f32 v12, v6  }
0x8c: {  	(xrf1) =	vsort.ascd.msk.f32 $0xffff, v14, v14;
	v8 =	vmax.f32 v13, v16;
	v5 =	vmin.f32 v7, v10  }
0x8d: {  	v7 =	vmax.f32 v7, v10;
	(xrf1) =	vsort.ascd.msk.f32 $0xffff, v6, v6;
	v17 =	vmax.f32 v11, v8  }
0x8e: {  	v8 =	vmin.f32 v11, v8;
	v11 =	vmin.f32 v13, v16;
	(xrf1) =	vsort.ascd.msk.f32 $0xffff, v5, v5  }
0x8f: {  	v9 =	vmin.f32 v9, v17;
	v6 =	vmin.f32 v11, v7;
	v7 =	vmax.f32 v11, v7  }
0x90: {  	v5 =	vmin.f32 v8, v7;
	v7 =	vmax.f32 v8, v7;
	(xrf1) =	vsort.ascd.msk.f32 $0xffff, v6, v6  }
0x91: {  	v6 =	vmin.f32 v9, v7;
	(xrf1) =	vsort.ascd.msk.f32 $0xffff, v5, v5  }
0x92: {  	(xrf1) =	vsort.ascd.msk.f32 $0xffff, v6, v6;
	_ =	sdelay $0x6  }
0x93: {  	v5, _, _ =	vpop (xrf1)  }
0x94: {  	v6, _, _ =	vpop (xrf1)  }
0x95: {  	v7, _, _ =	vpop (xrf1)  }
0x96: {  	v8, _, _ =	vpop (xrf1)  }
0x97: {  	v9, _, _ =	vpop (xrf1)  }
0x98: {  	v6 =	vperm.xlane v6, v0;
	v10, _, _ =	vpop (xrf1)  }
0x99: {  	v8 =	vperm.xlane v8, v0;
	v11, _, _ =	vpop (xrf1)  }
0x9a: {  	v5 =	vmin.f32 v5, v6;
	v6 =	vperm.xlane v10, v0;
	v12, _, _ =	vpop (xrf1)  }
0x9b: {  	(xrf1) =	vsort.ascd.msk.f32 $0xffff, v5, v5;
	v5 =	vmin.f32 v7, v8;
	v7 =	vperm.xlane v12, v0  }
0x9c: {  	(xrf1) =	vsort.ascd.msk.f32 $0xffff, v5, v5;
	v5 =	vmin.f32 v9, v6  }
0x9d: {  	(xrf1) =	vsort.ascd.msk.f32 $0xffff, v5, v5;
	v5 =	vmin.f32 v11, v7  }
0x9e: {  	(xrf1) =	vsort.ascd.msk.f32 $0xffff, v5, v5;
	_ =	sdelay $0xa  }
0x9f: {  	v5, _, _ =	vpop (xrf1)  }
0xa0: {  	v6, _, _ =	vpop (xrf1)  }
0xa1: {  	v7, _, _ =	vpop (xrf1)  }
0xa2: {  	v6 =	vperm.xlane v6, v0;
	v8, _, _ =	vpop (xrf1)  }
0xa3: {  	v8 =	vperm.xlane v8, v0  }
0xa4: {  	v5 =	vmin.f32 v5, v6  }
0xa5: {  	(xrf1) =	vsort.ascd.msk.f32 $0xffff, v5, v5;
	v5 =	vmin.f32 v7, v8  }
0xa6: {  	(xrf1) =	vsort.ascd.msk.f32 $0xffff, v5, v5;
	_ =	sdelay $0xc  }
0xa7: {  	v5, _, _ =	vpop (xrf1)  }
0xa8: {  	v6, _, _ =	vpop (xrf1)  }
0xa9: {  	v6 =	vperm.xlane v6, v0;
	_ =	sdelay $0x1  }
0xaa: {  	v5 =	vmin.f32 v5, v6  }
0xab: {  	(xrf1) =	vsort.ascd.msk.f32 $0xffff, v5, v5  }
0xac: {  	s20 =	simm.s32 $0x20  }
0xad: {  	s19 =	simm.s32 $0x2020;
	v14 =	vld [tilespmem:s20+$0x0]  }
0xae: {  	v13 =	vld [tilespmem:s19+$0x0]  }
0xaf: {  	v16 =	vld [tilespmem:s19+$0xFFFFFFF0]  }
0xb0: {  	v8 =	vld [tilespmem:s19+$0x10]  }
0xb1: {  	v6 =	vld [tilespmem:s20+$0x10]  }
0xb2: {  	v10 =	vld [tilespmem:s19+$0xFFFFFFE0]  }
0xb3: {  	v9 =	vld [tilespmem:s20+$0xFFFFFFE0]  }
0xb4: {  	v12 =	vld [tilespmem:s20+$0xFFFFFFF0]  }
0xb5: {  	v25 =	vsub.f32 v2, v14;
	v23 =	vsub.f32 v3, v13  }
0xb6: {  	s21 =	simm.s32 $0x4020;
	v19 =	vsub.f32 v3, v8;
	v22 =	vsub.f32 v2, v6  }
0xb7: {  	v27 =	vsub.f32 v3, v16;
	v25 =	vmul.f32 v25, v25;
	v15 =	vsub.f32 v3, v10;
	v7 =	vld [tilespmem:s21+$0x10]  }
0xb8: {  	v26 =	vsub.f32 v2, v9;
	v19 =	vmul.f32 v19, v19;
	v22 =	vmul.f32 v22, v22  }
0xb9: {  	v18 =	vld [tilespmem:s21+$0xFFFFFFE0];
	v23 =	vmul.f32 v23, v23;
	v15 =	vmul.f32 v15, v15;
	v24 =	vsub.f32 v2, v12;
	v5, _, _ =	vpop (xrf1)  }
0xba: {  	v11 =	vld [tilespmem:s21+$0x0];
	v19 =	vadd.f32 v19, v22;
	v22 =	vmul.f32 v26, v26;
	v5 =	vnsel vm0, $0xFF800000, v5  }
0xbb: {  	v27 =	vmul.f32 v27, v27;
	v24 =	vmul.f32 v24, v24;
	(xrf0) =	vmax.scan.msk.f32 $0xffff, v5  }
0xbc: {  	s30 =	simm.s32 $0x60;
	v21 =	vld [tilespmem:s21+$0xFFFFFFF0];
	v17 =	vsub.f32 v4, v7;
	v15 =	vadd.f32 v15, v22  }
0xbd: {  	v22 =	vadd.f32 v23, v25;
	v23 =	vadd.f32 v27, v24;
	v27 =	vld [tilespmem:s30+$0x10];
	_ =	sdelay $0x1  }
0xbe: {  	v28 =	vsub.f32 v4, v18;
	v20 =	vsub.f32 v4, v11;
	v17 =	vmul.f32 v17, v17;
	_ =	sdelay $0x1  }
0xbf: {  	v28 =	vmul.f32 v28, v28;
	v17 =	vadd.f32 v17, v19;
	v19 =	vmul.f32 v20, v20;
	v5, _, _ =	vpop (xrf0)  }
0xc0: {  	v26 =	vsub.f32 v4, v21;
	v34 =	vsub.f32 v2, v27;
	v5 =	vbroadcast v5, $0xF  }
0xc1: {  	v15 =	vadd.f32 v28, v15;
	v19 =	vadd.f32 v19, v22  }
0xc2: {  	v20 =	vmul.f32 v26, v26;
	v34 =	vmul.f32 v34, v34;
	vm5 =	vle.f32 v17, v5  }
0xc3: {  	s29 =	simm.s32 $0x2060;
	v17 =	vimm.f32 $0.0e+00;
	vm6 =	vle.f32 v15, v5;
	vm8 =	vle.f32 v19, v5  }
0xc4: {  	s31 =	simm.s32 $0x4060;
	v22 =	vnsel vm5, $0x0, v7;
	v7 =	vadd.f32 v20, v23;
	v20 =	vnsel vm5, $0x0, v6;
	v6 =	vld [tilespmem:s29+$0xFFFFFFE0]  }
0xc5: {  	v26 =	vnsel vm5, $0x0, v8;
	v8 =	vnsel vm6, $0x0, v9;
	v15 =	vnsel vm6, $0x0, v18;
	v18 =	vld [tilespmem:s31+$0x10]  }
0xc6: {  	v9 =	vld [tilespmem:s29+$0x10];
	v58 =	vnsel vm6, $0x0, v10;
	v23 =	vadd.f32 v8, v17;
	v8 =	vsel vm6, $0x3F800000, v1  }
0xc7: {  	v10 =	vld [tilespmem:s29+$0x0];
	v11 =	vnsel vm8, $0x0, v11;
	vm7 =	vle.f32 v7, v5;
	v24 =	vadd.f32 v8, v17  }
0xc8: {  	v15 =	vadd.f32 v15, v17;
	v28 =	vadd.f32 v58, v17;
	v7 =	vld [tilespmem:s31+$0x0];
	v25 =	vsel vm7, $0x3F800000, v1  }
0xc9: {  	v8 =	vld [tilespmem:s31+$0xFFFFFFF0];
	v12 =	vnsel vm7, $0x0, v12;
	v21 =	vnsel vm7, $0x0, v21;
	v24 =	vadd.f32 v25, v24  }
0xca: {  	v17 =	vld [tilespmem:s31+$0xFFFFFFE0];
	v16 =	vnsel vm7, $0x0, v16;
	v23 =	vadd.f32 v12, v23;
	v15 =	vadd.f32 v21, v15  }
0xcb: {  	v29 =	vnsel vm8, $0x0, v13;
	v12 =	vld [tilespmem:s30+$0x0];
	v28 =	vadd.f32 v16, v28;
	v19 =	vsub.f32 v3, v6  }
0xcc: {  	v13 =	vld [tilespmem:s30+$0xFFFFFFF0];
	v14 =	vnsel vm8, $0x0, v14;
	v25 =	vsub.f32 v4, v18;
	v30 =	vadd.f32 v11, v15  }
0xcd: {  	v15 =	vld [tilespmem:s30+$0xFFFFFFE0];
	v14 =	vadd.f32 v14, v23;
	v21 =	vmul.f32 v19, v19;
	v19 =	vsub.f32 v3, v9  }
0xce: {  	v31 =	vsel vm8, $0x3F800000, v1;
	v11 =	vld [tilespmem:s29+$0xFFFFFFF0];
	v32 =	vsub.f32 v4, v7;
	v33 =	vsub.f32 v4, v8  }
0xcf: {  	v36 =	vsub.f32 v4, v17;
	v25 =	vmul.f32 v25, v25;
	v16 =	vadd.f32 v22, v30  }
0xd0: {  	v22 =	vsub.f32 v3, v10;
	v32 =	vmul.f32 v32, v32;
	v60 =	vsub.f32 v2, v12  }
0xd1: {  	v59 =	vmul.f32 v19, v19;
	v19 =	vadd.f32 v31, v24;
	v24 =	vsub.f32 v2, v13  }
0xd2: {  	v22 =	vmul.f32 v22, v22;
	v35 =	vsub.f32 v2, v15;
	v31 =	vmul.f32 v60, v60  }
0xd3: {  	v33 =	vmul.f32 v33, v33;
	v23 =	vsub.f32 v3, v11;
	v30 =	vadd.f32 v59, v34  }
0xd4: {  	v24 =	vmul.f32 v24, v24;
	v61 =	vmul.f32 v35, v35;
	v31 =	vadd.f32 v22, v31  }
0xd5: {  	v63 =	vmul.f32 v23, v23;
	v25 =	vadd.f32 v25, v30;
	v22 =	vadd.f32 v20, v14  }
0xd6: {  	v62 =	vmul.f32 v36, v36;
	v20 =	vadd.f32 v29, v28;
	v21 =	vadd.f32 v21, v61  }
0xd7: {  	v23 =	vsel vm5, $0x3F800000, v1;
	v14 =	vadd.f32 v63, v24;
	vm5 =	vle.f32 v25, v5  }
0xd8: {  	s22 =	simm.s32 $0xA0;
	v20 =	vadd.f32 v26, v20;
	v18 =	vnsel vm5, $0x0, v18;
	v25 =	vadd.f32 v62, v21  }
0xd9: {  	s19 =	simm.s32 $0x4;
	s21 =	simm.s32 $0x20A0;
	s20 =	simm.s32 $0x40A0;
	v21 =	vadd.f32 v32, v31;
	v24 =	vadd.f32 v33, v14;
	v14 =	vnsel vm5, $0x0, v27  }
.LBB2_6:
0xda: {  	v26 =	vld [tilespmem:s21+$0xFFFFFFE0];
	s19 =	sadd.s32 $0x4, s19;
	vm7 =	vle.f32 v25, v5;
	v27 =	vnsel vm5, $0x0, v9;
	v19 =	vadd.f32 v23, v19  }
0xdb: {  	v28 =	vld [tilespmem:s22+$0x10];
	p0 =	slt.u32 s19, $0x1FC;
	v9 =	vnsel vm7, $0x0, v15;
	v15 =	vnsel vm7, $0x0, v17  }
0xdc: {  	vm6 =	vle.f32 v24, v5;
	v29 =	vld [tilespmem:s20+$0x10];
	v17 =	vadd.f32 v9, v22;
	v22 =	vsel vm7, $0x3F800000, v1  }
0xdd: {  	v13 =	vnsel vm6, $0x0, v13;
	v9 =	vld [tilespmem:s21+$0x10];
	v19 =	vadd.f32 v22, v19;
	v22 =	vnsel vm6, $0x0, v8  }
0xde: {  	vm8 =	vle.f32 v21, v5;
	v15 =	vadd.f32 v15, v16;
	v16 =	vsel vm6, $0x3F800000, v1;
	v23 =	vld [tilespmem:s20+$0x0]  }
0xdf: {  	v24 =	vnsel vm7, $0x0, v6;
	v21 =	vsub.f32 v3, v26;
	v8 =	vld [tilespmem:s20+$0xFFFFFFF0];
	v19 =	vadd.f32 v16, v19;
	v6 =	vmovc v26  }
0xe0: {  	v7 =	vnsel vm8, $0x0, v7;
	v15 =	vadd.f32 v22, v15;
	v26 =	vadd.f32 v13, v17;
	v25 =	vld [tilespmem:s21+$0x0]  }
0xe1: {  	v31 =	vnsel vm8, $0x0, v10;
	v21 =	vmul.f32 v21, v21;
	v22 =	vld [tilespmem:s22+$0x0];
	v30 =	vsub.f32 v4, v29  }
0xe2: {  	v33 =	vsel vm8, $0x3F800000, v1;
	v36 =	vadd.f32 v7, v15;
	v13 =	vld [tilespmem:s22+$0xFFFFFFF0];
	v32 =	vsub.f32 v3, v9  }
0xe3: {  	v20 =	vadd.f32 v24, v20;
	v24 =	vnsel vm8, $0x0, v12;
	v15 =	vld [tilespmem:s22+$0xFFFFFFE0];
	v16 =	vsub.f32 v4, v23;
	v7 =	vmovc v23  }
0xe4: {  	v37 =	vnsel vm6, $0x0, v11;
	v34 =	vsub.f32 v2, v28;
	v23 =	vsub.f32 v4, v8;
	v11 =	vld [tilespmem:s21+$0xFFFFFFF0]  }
0xe5: {  	v20 =	vadd.f32 v37, v20;
	v17 =	vld [tilespmem:s20+$0xFFFFFFE0];
	v35 =	vmul.f32 v16, v16;
	v16 =	vadd.f32 v18, v36;
	v10 =	vmovc v25  }
0xe6: {  	v19 =	vadd.f32 v33, v19;
	v25 =	vmul.f32 v32, v32;
	v18 =	vsub.f32 v3, v10;
	v12 =	vmovc v22  }
0xe7: {  	v33 =	vmul.f32 v34, v34;
	v22 =	vsub.f32 v2, v13;
	v32 =	vsub.f32 v2, v12  }
0xe8: {  	v24 =	vadd.f32 v24, v26;
	v34 =	vsub.f32 v2, v15;
	v18 =	vmul.f32 v18, v18  }
0xe9: {  	v26 =	vsub.f32 v3, v11;
	v36 =	vmul.f32 v22, v22;
	v22 =	vmul.f32 v32, v32  }
0xea: {  	v30 =	vmul.f32 v30, v30;
	v25 =	vadd.f32 v25, v33;
	v32 =	vsub.f32 v4, v17  }
0xeb: {  	v33 =	vmul.f32 v34, v34;
	v34 =	vmul.f32 v23, v23;
	v18 =	vadd.f32 v18, v22  }
.Ltmp1:
0xec: {  	v25 =	vadd.f32 v30, v25;
	v26 =	vmul.f32 v26, v26;
	v32 =	vmul.f32 v32, v32;
	(pc) =	sbr.rel @p0 .LBB2_6-.Ltmp1, $4  }
0xed: {  	v23 =	vsel vm5, $0x3F800000, v1;
	v22 =	vadd.f32 v14, v24;
	v21 =	vadd.f32 v21, v33  }
0xee: {  	v20 =	vadd.f32 v31, v20;
	vm5 =	vle.f32 v25, v5;
	v14 =	vadd.f32 v26, v36  }
0xef: {  	v25 =	vadd.f32 v32, v21;
	v21 =	vadd.f32 v35, v18;
	v18 =	vnsel vm5, $0x0, v29  }
0xf0: {  	v20 =	vadd.f32 v27, v20;
	s22 =	sadd.s32 $0x40, s22;
	s21 =	sadd.s32 $0x40, s21;
	s20 =	sadd.s32 $0x40, s20;
	v24 =	vadd.f32 v34, v14;
	v14 =	vnsel vm5, $0x0, v28  }
0xf1: {  	vm6 =	vle.f32 v25, v5;
	v2 =	vnsel vm5, $0x0, v9  }
0xf2: {  	v3 =	vadd.f32 v23, v19;
	v4 =	vnsel vm6, $0x0, v15;
	v53 =	vnsel vm6, $0x0, v17  }
0xf3: {  	v54 =	vsel vm6, $0x3F800000, v1;
	vm7 =	vle.f32 v24, v5;
	v6 =	vnsel vm6, $0x0, v6  }
0xf4: {  	vm6 =	vle.f32 v21, v5;
	v4 =	vadd.f32 v4, v22;
	v3 =	vadd.f32 v54, v3  }
0xf5: {  	v13 =	vnsel vm7, $0x0, v13;
	v8 =	vnsel vm7, $0x0, v8;
	v6 =	vadd.f32 v6, v20  }
0xf6: {  	v9 =	vadd.f32 v53, v16;
	v55 =	vnsel vm7, $0x0, v11;
	v4 =	vadd.f32 v13, v4  }
0xf7: {  	v56 =	vsel vm7, $0x3F800000, v1;
	v12 =	vnsel vm6, $0x0, v12;
	v5 =	vadd.f32 v55, v6  }
0xf8: {  	v58 =	vnsel vm6, $0x0, v10;
	v57 =	vadd.f32 v8, v9;
	v4 =	vadd.f32 v12, v4  }
0xf9: {  	v7 =	vnsel vm6, $0x0, v7;
	v3 =	vadd.f32 v56, v3;
	v5 =	vadd.f32 v58, v5  }
0xfa: {  	v59 =	vsel vm6, $0x3F800000, v1;
	v6 =	vadd.f32 v7, v57;
	v4 =	vadd.f32 v14, v4  }
0xfb: {  	v3 =	vadd.f32 v59, v3;
	v2 =	vadd.f32 v2, v5  }
0xfc: {  	v61 =	vsel vm5, $0x3F800000, v1;
	v60 =	vadd.f32 v18, v6;
	(xrf2) =	vadd.scan.msk.f32 $0xffff, v4  }
0xfd: {  	v3 =	vadd.f32 v61, v3;
	(xrf2) =	vadd.scan.msk.f32 $0xffff, v2  }
0xfe: {  	(xrf2) =	vadd.scan.msk.f32 $0xffff, v60  }
0xff: {  	(xrf2) =	vadd.scan.msk.f32 $0xffff, v3;
	_ =	sdelay $0x6  }
0x100: {  	v2, _, _ =	vpop (xrf2)  }
0x101: {  	v3, _, _ =	vpop (xrf2)  }
0x102: {  	v62, _, _ =	vpop (xrf2)  }
0x103: {  	v63, _, _ =	vpop (xrf2)  }
0x104: {  	s19 =	sshll.u32 s18, $0x4;
	s18 =	sadd.s32 $0x1, s18;
	v5 =	vbroadcast v63, $0xF  }
0x105: {  	p0 =	sne.s32 s18, $0x20;
	v4 =	vbroadcast v62, $0xF  }
.Ltmp2:
0x106: {  	v3 =	vbroadcast v3, $0xF;
	v5 =	vnsel vm1, $0x0, v5;
	(pc) =	sbr.rel @p0 .LBB2_3-.Ltmp2, $4  }
0x107: {  	v2 =	vbroadcast v2, $0xF;
	v4 =	vsel vm2, v5, v4  }
0x108: {  	v3 =	vsel vm3, v4, v3  }
0x109: {  	s19 =	sand.u32 $0x1F0, s19;
	v2 =	vsel vm4, v3, v2  }
0x10a: {  	[tilespmem:s19+$0x6600] =	vst v2  }
0x10b: {  	s16 =	sadd.s32 $0x1, s16  }
0x10c: {  	s17 =	sshll.u32 s17, $0x1;
	p0 =	sne.s32 s16, $0x8  }
.Ltmp3:
0x10d: {  	s17 =	sadd.s32 s4, s17;
	(pc) =	sbr.rel @p0 .LBB2_2-.Ltmp3, $4  }
0x10e: {  	[hbm4b:s17+s2] =	stream.linear.scatter [tilespmem:s14], [sflag:$0x1], $0x200, $0x38;
	[tilespmem:$0x6800] =	vst v63  }
0x10f: {  	_ =	swait.ge [sflag:s10], $0x200  }
0x110: {  	[sflag:s10] =	ssyncset.done $0x0  }
0x111: {  	[sflag:s10] =	ssyncadd.s32 $0xFFFFFE00  }
0x112: {  	s15 =	sadd.s32 $0x1, s15  }
0x113: {  	p0 =	sne.s32 s15, s9  }
.Ltmp4:
0x114: {  	_ = 	snop;
	(pc) =	sbr.rel @p0 .LBB2_1-.Ltmp4, $1  }
0x115: {  	_ =	sdelay $0x3  }
0x116: {  	_ =	sfence.sel $0x180000  }
0x117: {  	[bflag:$0x0] =	sbarrier.arrive $0xFFFF  }
0x118: {  	p0 =	sne.s32 s1, $0x0;
	_ =	strace $0x90000047  }
0x119: {  	s0 =	sadd.s32 @!p0 $0x100000, s0;
	[bflag:$0x2] =	sbarrier.arrive $0xFFFF  }
0x11a: {  	[sflag:s0] =	ssyncadd.tile.s32 @!p0 $0x1;
	_ =	shalt  }
.Lfunc_end2:
_tile_overlayer_lowered:
.L_overlay_start_2:
0x11b: {  	(tag) =	ssettag $0x2  }
0x11c: {  	s0 =	rddreg [dreg:$0x0];
	s2 =	stileid.u32  }
0x11d: {  	s1 =	rddreg [dreg:$0x1];
	p0 =	sne.s32 s2, $0x0  }
0x11e: {  	s3 =	rddreg [dreg:$0x2];
	[bflag:$0x3] =	sbarrier.arrive $0xFFFF;
	s2 =	simm.s32 @!p0 $0x1C01  }
0x11f: {  	[timem:s3], [sflag:s2] =	dma.local @!p0 [hbm:s0], s1  }
0x120: {  	s0 =	simm.s32 @!p0 $0x1  }
0x121: {  	_ =	swait.ge @!p0 [sflag:s0], s1  }
0x122: {  	s1 =	ssub.s32 @!p0 $0x0, s1;
	[sflag:s0] =	ssyncset.done @!p0 $0x0  }
0x123: {  	[sflag:s0] =	ssyncadd.s32 @!p0 s1  }
0x124: {  	[bflag:$0x3] =	sbarrier.arrive $0xFFFF  }
0x125: {  	_ =	shalt  }

</sc_bundles>
